<compile_context>
chip_gen: v7x
topology: tpu7x:2x2x1
jax: 0.10.2.dev20260603
libtpu: 0.0.44.dev20260713+nightly
codegen_flags: <defaults>
</compile_context>

<pallas_src>
import jax
import jax.numpy as jnp
from jax.experimental import pallas as pl
from jax.experimental.pallas import tpu as pltpu
from jax.experimental.pallas import tpu_sc as plsc

_WINDOW = 512

_TWV = 8192


def _linearize_table(table):
    table_t = table.T
    dim, v = table_t.shape
    nblk = pl.cdiv(v // 2, _TWV)
    if (2 * nblk - 1) * _TWV < v:
        nblk += 1
    split = (nblk - 1) * _TWV
    prows = nblk * _TWV

    def body(lo_ref, hi_ref, out_ref):
        out_ref[...] = jnp.concatenate(
            [jnp.transpose(lo_ref[...]), jnp.transpose(hi_ref[...])], axis=1
        )

    packed = pl.pallas_call(
        body,
        grid=(nblk,),
        in_specs=[
            pl.BlockSpec((dim, _TWV), lambda i: (0, i)),
            pl.BlockSpec((dim, _TWV), lambda i, _o=nblk - 1: (0, i + _o)),
        ],
        out_specs=pl.BlockSpec((_TWV, 2 * dim), lambda i: (i, 0)),
        out_shape=jax.ShapeDtypeStruct((prows, 2 * dim), jnp.float32),
        compiler_params=pltpu.CompilerParams(
            dimension_semantics=("parallel",)
        ),
    )(table_t, table_t)
    return packed.reshape(2 * prows, dim), split


_TBB = 8192


def _transpose_out(g, batch, hist, embed_dim):
    kh = hist // 2
    d2 = 2 * embed_dim
    g2 = g.reshape(kh * batch, d2)

    def body(in_ref, out_ref):
        out_ref[0] = jnp.transpose(in_ref[...])

    out_t = pl.pallas_call(
        body,
        grid=(kh, batch // _TBB),
        in_specs=[pl.BlockSpec((_TBB, d2), lambda k, j, _nb=batch // _TBB: (k * _nb + j, 0))],
        out_specs=pl.BlockSpec((1, d2, _TBB), lambda k, j: (k, 0, j)),
        out_shape=jax.ShapeDtypeStruct((kh, d2, batch), jnp.float32),
        compiler_params=pltpu.CompilerParams(
            dimension_semantics=("parallel", "parallel")
        ),
    )(g2)
    return jnp.transpose(out_t.reshape(hist, embed_dim, batch), (2, 0, 1))


def kernel(x, table):
    batch, hist = x.shape
    n = batch * hist
    embed_dim = table.shape[1]
    table, split = _linearize_table(table)
    xt = x.T
    idx2 = jnp.where(xt < split, 2 * xt, 2 * (xt - split) + 1)

    half = _WINDOW // 2
    wins_per_row = batch // half

    mesh = plsc.VectorSubcoreMesh(core_axis_name="c", subcore_axis_name="s")

    @jax.jit
    @pl.kernel(
        out_type=jax.ShapeDtypeStruct((n, embed_dim), table.dtype),
        mesh=mesh,
        scratch_types=[pltpu.VMEM((_WINDOW,), jnp.int32)],
        compiler_params=pltpu.CompilerParams(
            use_tc_tiling_on_sc=False, needs_layout_passes=False
        ),
    )
    def gather_kernel(tab_hbm, idx_hbm, out_hbm, idxw):
        def body(lo_vmem, hi_vmem, out_vmem):
            for c in range(half // 16):
                slots = jax.lax.iota(jnp.int32, 16) * 2 + (32 * c)
                plsc.store_scatter(idxw, [slots], lo_vmem[0, pl.ds(c * 16, 16)])
                plsc.store_scatter(idxw, [slots + 1], hi_vmem[0, pl.ds(c * 16, 16)])
            pltpu.sync_copy(tab_hbm.at[idxw], out_vmem)

        pltpu.emit_pipeline(
            body,
            grid=(n // _WINDOW,),
            in_specs=[
                pl.BlockSpec((1, half), index_map=lambda w: (2 * (w // wins_per_row), w % wins_per_row)),
                pl.BlockSpec((1, half), index_map=lambda w: (2 * (w // wins_per_row) + 1, w % wins_per_row)),
            ],
            out_specs=[
                pl.BlockSpec((_WINDOW, embed_dim), index_map=lambda w: (w, 0)),
            ],
            core_axis_name=("c", "s"),
            dimension_semantics=(pltpu.PARALLEL,),
        )(idx_hbm, idx_hbm, out_hbm)

    out = gather_kernel(table, idx2)
    return _transpose_out(out, batch, hist, embed_dim)

# --- scband reference (transcript-rebuilt; emitter-appended) ---
"""Pipeline reference for scband-text-embed-40973988004445 (READ-ONLY COPY).

The authoritative reference and input builder live on the scoring server;
editing this copy changes nothing except your own understanding.
"""

import jax, jax.numpy as jnp
import numpy as np

VOCAB = 1000000
EMBED_DIM = 64
BATCH = 16384
HIST = 50

def setup_inputs(seed: int = 0) -> dict:
    key = jax.random.key(seed)
    k_idx, k_tab = jax.random.split(key)
    x = jax.random.randint(k_idx, (BATCH, HIST), 0, VOCAB, dtype=jnp.int64 if jax.config.jax_enable_x64 else jnp.int32)
    table = jax.random.normal(k_tab, (VOCAB, EMBED_DIM), dtype=jnp.float32) * (1.0 / np.sqrt(EMBED_DIM))
    return {"x": x, "table": table}

def reference(x, table):
    # nn.Embedding forward: gather rows of the table by index
    out = jnp.take(table, x, axis=0)
    return out

if __name__ == "__main__":
    import jax
    _d = setup_inputs()
    print(jax.jit(kernel)(*tuple(_d.values())))

</pallas_src>

<mosaic_0001>
#map = affine_map<(d0, d1) -> (0, 0)>
module attributes {stable_mosaic.version = 14 : i64} {
  func.func @gather_kernel(%arg0: i32, %arg1: i32, %arg2: memref<1015808x64xf32, #tpu.memory_space<hbm>>, %arg3: memref<50x16384xi32, #tpu.memory_space<hbm>>, %arg4: memref<819200x64xf32, #tpu.memory_space<hbm>>, %arg5: memref<512xi32, #tpu.memory_space<vmem>>) attributes {dimension_semantics = [#tpu.dimension_semantics<core_parallel>, #tpu.dimension_semantics<subcore_parallel>], iteration_bounds = array<i64: 2, 16>, scalar_prefetch = 0 : i64, scratch_operands = 1 : i64, tpu.core_type = #tpu.core_type<sc_vector_subcore>, window_params = [{transform_indices = #map}, {transform_indices = #map}, {transform_indices = #map}]} {
    %mul3A = arith.constant 1 : i32
    %mul3A_0 = arith.muli %arg1, %mul3A : i32
    %add3A = arith.constant 0 : i32
    %add3A_1 = arith.addi %add3A, %mul3A_0 : i32
    %mul3A_2 = arith.constant 16 : i32
    %mul3A_3 = arith.muli %arg0, %mul3A_2 : i32
    %add3A_4 = arith.addi %add3A_1, %mul3A_3 : i32
    %mul3A_5 = arith.constant 50 : i32
    %mul3A_6 = arith.muli %add3A_4, %mul3A_5 : i32
    "tpu.region"() ({
      %run_scoped3A = memref.alloca() : memref<2x1x256xi32, #tpu.memory_space<vmem>>
      %run_scoped3A_7 = tpu.sem_alloc : memref<2x!tpu.dma_semaphore, #tpu.memory_space<semaphore_mem>>
      %run_scoped3A_8 = memref.alloca() : memref<2x1x256xi32, #tpu.memory_space<vmem>>
      %run_scoped3A_9 = tpu.sem_alloc : memref<2x!tpu.dma_semaphore, #tpu.memory_space<semaphore_mem>>
      %run_scoped3A_10 = memref.alloca() : memref<2x512x64xf32, #tpu.memory_space<vmem>>
      %run_scoped3A_11 = tpu.sem_alloc : memref<2x!tpu.dma_semaphore, #tpu.memory_space<semaphore_mem>>
      %add3A_12 = arith.constant 0 : i32
      %add3A_13 = arith.addi %add3A_12, %mul3A_6 : i32
      %select_n3A = arith.constant true
      %select_n3A_14 = arith.constant 0 : i32
      %select_n3A_15 = arith.constant -1 : i32
      %select_n3A_16 = arith.select %select_n3A, %select_n3A_15, %select_n3A_14 : i32
      %eq3A = arith.constant -1 : i32
      %eq3A_17 = arith.cmpi eq, %select_n3A_16, %eq3A : i32
      %select_n3A_18 = arith.constant 49 : i32
      %select_n3A_19 = arith.select %eq3A_17, %select_n3A_18, %select_n3A_16 : i32
      %add3A_20 = arith.addi %select_n3A_19, %mul3A_6 : i32
      %select_n3A_21 = arith.constant true
      %select_n3A_22 = arith.constant 0 : i32
      %select_n3A_23 = arith.constant 1 : i32
      %select_n3A_24 = arith.select %select_n3A_21, %select_n3A_23, %select_n3A_22 : i32
      %eq3A_25 = arith.constant 50 : i32
      %eq3A_26 = arith.cmpi eq, %select_n3A_24, %eq3A_25 : i32
      %select_n3A_27 = arith.constant 0 : i32
      %select_n3A_28 = arith.select %eq3A_26, %select_n3A_27, %select_n3A_24 : i32
      %add3A_29 = arith.addi %select_n3A_28, %mul3A_6 : i32
      %add3A_30 = arith.constant 1 : i32
      %add3A_31 = arith.addi %select_n3A_28, %add3A_30 : i32
      %select_n3A_32 = arith.constant true
      %select_n3A_33 = arith.select %select_n3A_32, %add3A_31, %select_n3A_28 : i32
      %eq3A_34 = arith.constant 50 : i32
      %eq3A_35 = arith.cmpi eq, %select_n3A_33, %eq3A_34 : i32
      %select_n3A_36 = arith.constant 0 : i32
      %select_n3A_37 = arith.select %eq3A_35, %select_n3A_36, %select_n3A_33 : i32
      %add3A_38 = arith.addi %select_n3A_37, %mul3A_6 : i32
      "tpu.trace_start"() <{level = 10 : i32, message = "ep_initialize_0"}> : () -> ()
      %rem3A = arith.constant 0 : i32
      %rem3A_39 = arith.constant 2 : i32
      %rem3A_40 = arith.remui %rem3A, %rem3A_39 : i32
      %jit3A = arith.constant 64 : i32
      %div3A = arith.divsi %add3A_13, %jit3A : i32
      %sign3A = arith.constant 0 : i32
      %sign3A_41 = arith.cmpi sgt, %add3A_13, %sign3A : i32
      %sign3A_42 = arith.extui %sign3A_41 : i1 to i32
      %sign3A_43 = arith.constant 0 : i32
      %sign3A_44 = arith.cmpi slt, %add3A_13, %sign3A_43 : i32
      %sign3A_45 = arith.extui %sign3A_44 : i1 to i32
      %sign3A_46 = arith.subi %sign3A_42, %sign3A_45 : i32
      %sign3A_47 = arith.constant 0 : i32
      %sign3A_48 = arith.cmpi sgt, %jit3A, %sign3A_47 : i32
      %sign3A_49 = arith.extui %sign3A_48 : i1 to i32
      %sign3A_50 = arith.constant 0 : i32
      %sign3A_51 = arith.cmpi slt, %jit3A, %sign3A_50 : i32
      %sign3A_52 = arith.extui %sign3A_51 : i1 to i32
      %sign3A_53 = arith.subi %sign3A_49, %sign3A_52 : i32
      %ne3A = arith.cmpi ne, %sign3A_46, %sign3A_53 : i32
      %rem3A_54 = arith.remsi %add3A_13, %jit3A : i32
      %ne3A_55 = arith.constant 0 : i32
      %ne3A_56 = arith.cmpi ne, %rem3A_54, %ne3A_55 : i32
      %and3A = arith.andi %ne3A, %ne3A_56 : i1
      %sub3A = arith.constant 1 : i32
      %sub3A_57 = arith.subi %div3A, %sub3A : i32
      %select_n3A_58 = arith.select %and3A, %sub3A_57, %div3A : i32
      %mul3A_59 = arith.constant 2 : i32
      %mul3A_60 = arith.muli %mul3A_59, %select_n3A_58 : i32
      %jit3A_61 = arith.constant 64 : i32
      %eq3A_62 = arith.constant 0 : i32
      %eq3A_63 = arith.cmpi eq, %jit3A_61, %eq3A_62 : i32
      %jit3A_64 = arith.constant 1 : i32
      %select_n3A_65 = arith.select %eq3A_63, %jit3A_64, %jit3A_61 : i32
      %rem3A_66 = arith.remsi %add3A_13, %select_n3A_65 : i32
      %ne3A_67 = arith.constant 0 : i32
      %ne3A_68 = arith.cmpi ne, %rem3A_66, %ne3A_67 : i32
      %lt3A = arith.constant 0 : i32
      %lt3A_69 = arith.cmpi slt, %rem3A_66, %lt3A : i32
      %lt3A_70 = arith.constant 0 : i32
      %lt3A_71 = arith.cmpi slt, %select_n3A_65, %lt3A_70 : i32
      %ne3A_72 = arith.xori %lt3A_69, %lt3A_71 : i1
      %and3A_73 = arith.andi %ne3A_72, %ne3A_68 : i1
      %add3A_74 = arith.addi %rem3A_66, %select_n3A_65 : i32
      %select_n3A_75 = arith.select %and3A_73, %add3A_74, %rem3A_66 : i32
      %mul3A_76 = arith.constant 1 : i32
      %mul3A_77 = arith.muli %mul3A_76, %mul3A_60 : i32
      %mul3A_78 = arith.constant 256 : i32
      %mul3A_79 = arith.muli %mul3A_78, %select_n3A_75 : i32
      %dma_start3A = arith.constant 0 : i32
      %dma_start3A_80 = arith.constant 0 : i32
      %dma_start3A_81 = tpu.memref_slice %run_scoped3A[%rem3A_40, %dma_start3A, %dma_start3A_80] : memref<2x1x256xi32, #tpu.memory_space<vmem>> -> memref<1x1x256xi32, #tpu.memory_space<vmem>>
      %dma_start3A_82 = tpu.memref_squeeze %dma_start3A_81 : memref<1x1x256xi32, #tpu.memory_space<vmem>> -> memref<1x256xi32, #tpu.memory_space<vmem>>
      %dma_start3A_83 = tpu.memref_slice %arg3[%mul3A_77, %mul3A_79] : memref<50x16384xi32, #tpu.memory_space<hbm>> -> memref<1x256xi32, #tpu.memory_space<hbm>>
      %dma_start3A_84 = tpu.memref_slice %run_scoped3A_7[%rem3A_40] : memref<2x!tpu.dma_semaphore, #tpu.memory_space<semaphore_mem>> -> memref<1x!tpu.dma_semaphore, #tpu.memory_space<semaphore_mem>>
      %dma_start3A_85 = tpu.memref_squeeze %dma_start3A_84 : memref<1x!tpu.dma_semaphore, #tpu.memory_space<semaphore_mem>> -> memref<!tpu.dma_semaphore, #tpu.memory_space<semaphore_mem>>
      %dma_start3A_86 = arith.constant 0 : i32
      %dma_start3A_87 = arith.constant 0 : i32
      %dma_start3A_88 = tpu.memref_slice %run_scoped3A[%rem3A_40, %dma_start3A_86, %dma_start3A_87] : memref<2x1x256xi32, #tpu.memory_space<vmem>> -> memref<1x1x256xi32, #tpu.memory_space<vmem>>
      %dma_start3A_89 = tpu.memref_squeeze %dma_start3A_88 : memref<1x1x256xi32, #tpu.memory_space<vmem>> -> memref<1x256xi32, #tpu.memory_space<vmem>>
      %dma_start3A_90 = tpu.memref_slice %arg3[%mul3A_77, %mul3A_79] : memref<50x16384xi32, #tpu.memory_space<hbm>> -> memref<1x256xi32, #tpu.memory_space<hbm>>
      tpu.enqueue_dma source(%dma_start3A_90 : memref<1x256xi32, #tpu.memory_space<hbm>>) target(%dma_start3A_89 : memref<1x256xi32, #tpu.memory_space<vmem>>) target_semaphore(%dma_start3A_85 : memref<!tpu.dma_semaphore, #tpu.memory_space<semaphore_mem>>)
      %add3A_91 = arith.constant 0 : i32
      %add3A_92 = arith.constant 1 : i32
      %add3A_93 = arith.addi %add3A_91, %add3A_92 : i32
      %select_n3A_94 = arith.constant true
      %select_n3A_95 = arith.constant 0 : i32
      %select_n3A_96 = arith.select %select_n3A_94, %add3A_93, %select_n3A_95 : i32
      %rem3A_97 = arith.constant 0 : i32
      %rem3A_98 = arith.constant 2 : i32
      %rem3A_99 = arith.remui %rem3A_97, %rem3A_98 : i32
      %jit3A_100 = arith.constant 64 : i32
      %div3A_101 = arith.divsi %add3A_13, %jit3A_100 : i32
      %sign3A_102 = arith.constant 0 : i32
      %sign3A_103 = arith.cmpi sgt, %add3A_13, %sign3A_102 : i32
      %sign3A_104 = arith.extui %sign3A_103 : i1 to i32
      %sign3A_105 = arith.constant 0 : i32
      %sign3A_106 = arith.cmpi slt, %add3A_13, %sign3A_105 : i32
      %sign3A_107 = arith.extui %sign3A_106 : i1 to i32
      %sign3A_108 = arith.subi %sign3A_104, %sign3A_107 : i32
      %sign3A_109 = arith.constant 0 : i32
      %sign3A_110 = arith.cmpi sgt, %jit3A_100, %sign3A_109 : i32
      %sign3A_111 = arith.extui %sign3A_110 : i1 to i32
      %sign3A_112 = arith.constant 0 : i32
      %sign3A_113 = arith.cmpi slt, %jit3A_100, %sign3A_112 : i32
      %sign3A_114 = arith.extui %sign3A_113 : i1 to i32
      %sign3A_115 = arith.subi %sign3A_111, %sign3A_114 : i32
      %ne3A_116 = arith.cmpi ne, %sign3A_108, %sign3A_115 : i32
      %rem3A_117 = arith.remsi %add3A_13, %jit3A_100 : i32
      %ne3A_118 = arith.constant 0 : i32
      %ne3A_119 = arith.cmpi ne, %rem3A_117, %ne3A_118 : i32
      %and3A_120 = arith.andi %ne3A_116, %ne3A_119 : i1
      %sub3A_121 = arith.constant 1 : i32
      %sub3A_122 = arith.subi %div3A_101, %sub3A_121 : i32
      %select_n3A_123 = arith.select %and3A_120, %sub3A_122, %div3A_101 : i32
      %mul3A_124 = arith.constant 2 : i32
      %mul3A_125 = arith.muli %mul3A_124, %select_n3A_123 : i32
      %add3A_126 = arith.constant 1 : i32
      %add3A_127 = arith.addi %mul3A_125, %add3A_126 : i32
      %jit3A_128 = arith.constant 64 : i32
      %eq3A_129 = arith.constant 0 : i32
      %eq3A_130 = arith.cmpi eq, %jit3A_128, %eq3A_129 : i32
      %jit3A_131 = arith.constant 1 : i32
      %select_n3A_132 = arith.select %eq3A_130, %jit3A_131, %jit3A_128 : i32
      %rem3A_133 = arith.remsi %add3A_13, %select_n3A_132 : i32
      %ne3A_134 = arith.constant 0 : i32
      %ne3A_135 = arith.cmpi ne, %rem3A_133, %ne3A_134 : i32
      %lt3A_136 = arith.constant 0 : i32
      %lt3A_137 = arith.cmpi slt, %rem3A_133, %lt3A_136 : i32
      %lt3A_138 = arith.constant 0 : i32
      %lt3A_139 = arith.cmpi slt, %select_n3A_132, %lt3A_138 : i32
      %ne3A_140 = arith.xori %lt3A_137, %lt3A_139 : i1
      %and3A_141 = arith.andi %ne3A_140, %ne3A_135 : i1
      %add3A_142 = arith.addi %rem3A_133, %select_n3A_132 : i32
      %select_n3A_143 = arith.select %and3A_141, %add3A_142, %rem3A_133 : i32
      %mul3A_144 = arith.constant 1 : i32
      %mul3A_145 = arith.muli %mul3A_144, %add3A_127 : i32
      %mul3A_146 = arith.constant 256 : i32
      %mul3A_147 = arith.muli %mul3A_146, %select_n3A_143 : i32
      %dma_start3A_148 = arith.constant 0 : i32
      %dma_start3A_149 = arith.constant 0 : i32
      %dma_start3A_150 = tpu.memref_slice %run_scoped3A_8[%rem3A_99, %dma_start3A_148, %dma_start3A_149] : memref<2x1x256xi32, #tpu.memory_space<vmem>> -> memref<1x1x256xi32, #tpu.memory_space<vmem>>
      %dma_start3A_151 = tpu.memref_squeeze %dma_start3A_150 : memref<1x1x256xi32, #tpu.memory_space<vmem>> -> memref<1x256xi32, #tpu.memory_space<vmem>>
      %dma_start3A_152 = tpu.memref_slice %arg3[%mul3A_145, %mul3A_147] : memref<50x16384xi32, #tpu.memory_space<hbm>> -> memref<1x256xi32, #tpu.memory_space<hbm>>
      %dma_start3A_153 = tpu.memref_slice %run_scoped3A_9[%rem3A_99] : memref<2x!tpu.dma_semaphore, #tpu.memory_space<semaphore_mem>> -> memref<1x!tpu.dma_semaphore, #tpu.memory_space<semaphore_mem>>
      %dma_start3A_154 = tpu.memref_squeeze %dma_start3A_153 : memref<1x!tpu.dma_semaphore, #tpu.memory_space<semaphore_mem>> -> memref<!tpu.dma_semaphore, #tpu.memory_space<semaphore_mem>>
      %dma_start3A_155 = arith.constant 0 : i32
      %dma_start3A_156 = arith.constant 0 : i32
      %dma_start3A_157 = tpu.memref_slice %run_scoped3A_8[%rem3A_99, %dma_start3A_155, %dma_start3A_156] : memref<2x1x256xi32, #tpu.memory_space<vmem>> -> memref<1x1x256xi32, #tpu.memory_space<vmem>>
      %dma_start3A_158 = tpu.memref_squeeze %dma_start3A_157 : memref<1x1x256xi32, #tpu.memory_space<vmem>> -> memref<1x256xi32, #tpu.memory_space<vmem>>
      %dma_start3A_159 = tpu.memref_slice %arg3[%mul3A_145, %mul3A_147] : memref<50x16384xi32, #tpu.memory_space<hbm>> -> memref<1x256xi32, #tpu.memory_space<hbm>>
      tpu.enqueue_dma source(%dma_start3A_159 : memref<1x256xi32, #tpu.memory_space<hbm>>) target(%dma_start3A_158 : memref<1x256xi32, #tpu.memory_space<vmem>>) target_semaphore(%dma_start3A_154 : memref<!tpu.dma_semaphore, #tpu.memory_space<semaphore_mem>>)
      %add3A_160 = arith.constant 0 : i32
      %add3A_161 = arith.constant 1 : i32
      %add3A_162 = arith.addi %add3A_160, %add3A_161 : i32
      %select_n3A_163 = arith.constant true
      %select_n3A_164 = arith.constant 0 : i32
      %select_n3A_165 = arith.select %select_n3A_163, %add3A_162, %select_n3A_164 : i32
      "tpu.trace_stop"() : () -> ()
      %scan3A = arith.constant 0 : i32
      %scan3A_166 = arith.constant 0 : i32
      %scan3A_167 = arith.constant 0 : i32
      %scan3A_168 = arith.constant 0 : i32
      %scan3A_169 = arith.constant 0 : i32
      %scan3A_170 = arith.constant 0 : i32
      %scan3A_171 = arith.constant 50 : i32
      %scan3A_172 = arith.addi %scan3A_170, %scan3A_171 : i32
      %scan3A_173 = arith.constant 1 : i32
      %scan3A_174:7 = scf.for %scan3A_229 = %scan3A_170 to %scan3A_172 step %scan3A_173 iter_args(%scan3A_230 = %select_n3A_96, %scan3A_231 = %scan3A, %scan3A_232 = %select_n3A_165, %scan3A_233 = %scan3A_166, %scan3A_234 = %scan3A_167, %scan3A_235 = %scan3A_168, %scan3A_236 = %scan3A_169) -> (i32, i32, i32, i32, i32, i32, i32)  : i32 {
        %eq3A_237 = arith.constant 0 : i32
        %eq3A_238 = arith.cmpi eq, %scan3A_229, %eq3A_237 : i32
        %eq3A_239 = arith.constant 49 : i32
        %eq3A_240 = arith.cmpi eq, %scan3A_229, %eq3A_239 : i32
        %add3A_241 = arith.addi %scan3A_236, %mul3A_6 : i32
        %sub3A_242 = arith.constant 1 : i32
        %sub3A_243 = arith.subi %scan3A_236, %sub3A_242 : i32
        %select_n3A_244 = arith.constant true
        %select_n3A_245 = arith.select %select_n3A_244, %sub3A_243, %scan3A_236 : i32
        %eq3A_246 = arith.constant -1 : i32
        %eq3A_247 = arith.cmpi eq, %select_n3A_245, %eq3A_246 : i32
        %select_n3A_248 = arith.constant 49 : i32
        %select_n3A_249 = arith.select %eq3A_247, %select_n3A_248, %select_n3A_245 : i32
        %add3A_250 = arith.addi %select_n3A_249, %mul3A_6 : i32
        %add3A_251 = arith.constant 1 : i32
        %add3A_252 = arith.addi %scan3A_236, %add3A_251 : i32
        %select_n3A_253 = arith.constant true
        %select_n3A_254 = arith.select %select_n3A_253, %add3A_252, %scan3A_236 : i32
        %eq3A_255 = arith.constant 50 : i32
        %eq3A_256 = arith.cmpi eq, %select_n3A_254, %eq3A_255 : i32
        %select_n3A_257 = arith.constant 0 : i32
        %select_n3A_258 = arith.select %eq3A_256, %select_n3A_257, %select_n3A_254 : i32
        %add3A_259 = arith.addi %select_n3A_258, %mul3A_6 : i32
        %add3A_260 = arith.constant 1 : i32
        %add3A_261 = arith.addi %select_n3A_258, %add3A_260 : i32
        %select_n3A_262 = arith.constant true
        %select_n3A_263 = arith.select %select_n3A_262, %add3A_261, %select_n3A_258 : i32
        %eq3A_264 = arith.constant 50 : i32
        %eq3A_265 = arith.cmpi eq, %select_n3A_263, %eq3A_264 : i32
        %select_n3A_266 = arith.constant 0 : i32
        %select_n3A_267 = arith.select %eq3A_265, %select_n3A_266, %select_n3A_263 : i32
        %add3A_268 = arith.addi %select_n3A_267, %mul3A_6 : i32
        %jit3A_269 = arith.constant 64 : i32
        %div3A_270 = arith.divsi %add3A_241, %jit3A_269 : i32
        %sign3A_271 = arith.constant 0 : i32
        %sign3A_272 = arith.cmpi sgt, %add3A_241, %sign3A_271 : i32
        %sign3A_273 = arith.extui %sign3A_272 : i1 to i32
        %sign3A_274 = arith.constant 0 : i32
        %sign3A_275 = arith.cmpi slt, %add3A_241, %sign3A_274 : i32
        %sign3A_276 = arith.extui %sign3A_275 : i1 to i32
        %sign3A_277 = arith.subi %sign3A_273, %sign3A_276 : i32
        %sign3A_278 = arith.constant 0 : i32
        %sign3A_279 = arith.cmpi sgt, %jit3A_269, %sign3A_278 : i32
        %sign3A_280 = arith.extui %sign3A_279 : i1 to i32
        %sign3A_281 = arith.constant 0 : i32
        %sign3A_282 = arith.cmpi slt, %jit3A_269, %sign3A_281 : i32
        %sign3A_283 = arith.extui %sign3A_282 : i1 to i32
        %sign3A_284 = arith.subi %sign3A_280, %sign3A_283 : i32
        %ne3A_285 = arith.cmpi ne, %sign3A_277, %sign3A_284 : i32
        %rem3A_286 = arith.remsi %add3A_241, %jit3A_269 : i32
        %ne3A_287 = arith.constant 0 : i32
        %ne3A_288 = arith.cmpi ne, %rem3A_286, %ne3A_287 : i32
        %and3A_289 = arith.andi %ne3A_285, %ne3A_288 : i1
        %sub3A_290 = arith.constant 1 : i32
        %sub3A_291 = arith.subi %div3A_270, %sub3A_290 : i32
        %select_n3A_292 = arith.select %and3A_289, %sub3A_291, %div3A_270 : i32
        %mul3A_293 = arith.constant 2 : i32
        %mul3A_294 = arith.muli %mul3A_293, %select_n3A_292 : i32
        %jit3A_295 = arith.constant 64 : i32
        %eq3A_296 = arith.constant 0 : i32
        %eq3A_297 = arith.cmpi eq, %jit3A_295, %eq3A_296 : i32
        %jit3A_298 = arith.constant 1 : i32
        %select_n3A_299 = arith.select %eq3A_297, %jit3A_298, %jit3A_295 : i32
        %rem3A_300 = arith.remsi %add3A_241, %select_n3A_299 : i32
        %ne3A_301 = arith.constant 0 : i32
        %ne3A_302 = arith.cmpi ne, %rem3A_300, %ne3A_301 : i32
        %lt3A_303 = arith.constant 0 : i32
        %lt3A_304 = arith.cmpi slt, %rem3A_300, %lt3A_303 : i32
        %lt3A_305 = arith.constant 0 : i32
        %lt3A_306 = arith.cmpi slt, %select_n3A_299, %lt3A_305 : i32
        %ne3A_307 = arith.xori %lt3A_304, %lt3A_306 : i1
        %and3A_308 = arith.andi %ne3A_307, %ne3A_302 : i1
        %add3A_309 = arith.addi %rem3A_300, %select_n3A_299 : i32
        %select_n3A_310 = arith.select %and3A_308, %add3A_309, %rem3A_300 : i32
        %jit3A_311 = arith.constant 64 : i32
        %div3A_312 = arith.divsi %add3A_259, %jit3A_311 : i32
        %sign3A_313 = arith.constant 0 : i32
        %sign3A_314 = arith.cmpi sgt, %add3A_259, %sign3A_313 : i32
        %sign3A_315 = arith.extui %sign3A_314 : i1 to i32
        %sign3A_316 = arith.constant 0 : i32
        %sign3A_317 = arith.cmpi slt, %add3A_259, %sign3A_316 : i32
        %sign3A_318 = arith.extui %sign3A_317 : i1 to i32
        %sign3A_319 = arith.subi %sign3A_315, %sign3A_318 : i32
        %sign3A_320 = arith.constant 0 : i32
        %sign3A_321 = arith.cmpi sgt, %jit3A_311, %sign3A_320 : i32
        %sign3A_322 = arith.extui %sign3A_321 : i1 to i32
        %sign3A_323 = arith.constant 0 : i32
        %sign3A_324 = arith.cmpi slt, %jit3A_311, %sign3A_323 : i32
        %sign3A_325 = arith.extui %sign3A_324 : i1 to i32
        %sign3A_326 = arith.subi %sign3A_322, %sign3A_325 : i32
        %ne3A_327 = arith.cmpi ne, %sign3A_319, %sign3A_326 : i32
        %rem3A_328 = arith.remsi %add3A_259, %jit3A_311 : i32
        %ne3A_329 = arith.constant 0 : i32
        %ne3A_330 = arith.cmpi ne, %rem3A_328, %ne3A_329 : i32
        %and3A_331 = arith.andi %ne3A_327, %ne3A_330 : i1
        %sub3A_332 = arith.constant 1 : i32
        %sub3A_333 = arith.subi %div3A_312, %sub3A_332 : i32
        %select_n3A_334 = arith.select %and3A_331, %sub3A_333, %div3A_312 : i32
        %mul3A_335 = arith.constant 2 : i32
        %mul3A_336 = arith.muli %mul3A_335, %select_n3A_334 : i32
        %jit3A_337 = arith.constant 64 : i32
        %eq3A_338 = arith.constant 0 : i32
        %eq3A_339 = arith.cmpi eq, %jit3A_337, %eq3A_338 : i32
        %jit3A_340 = arith.constant 1 : i32
        %select_n3A_341 = arith.select %eq3A_339, %jit3A_340, %jit3A_337 : i32
        %rem3A_342 = arith.remsi %add3A_259, %select_n3A_341 : i32
        %ne3A_343 = arith.constant 0 : i32
        %ne3A_344 = arith.cmpi ne, %rem3A_342, %ne3A_343 : i32
        %lt3A_345 = arith.constant 0 : i32
        %lt3A_346 = arith.cmpi slt, %rem3A_342, %lt3A_345 : i32
        %lt3A_347 = arith.constant 0 : i32
        %lt3A_348 = arith.cmpi slt, %select_n3A_341, %lt3A_347 : i32
        %ne3A_349 = arith.xori %lt3A_346, %lt3A_348 : i1
        %and3A_350 = arith.andi %ne3A_349, %ne3A_344 : i1
        %add3A_351 = arith.addi %rem3A_342, %select_n3A_341 : i32
        %select_n3A_352 = arith.select %and3A_350, %add3A_351, %rem3A_342 : i32
        %ne3A_353 = arith.cmpi ne, %mul3A_294, %mul3A_336 : i32
        %ne3A_354 = arith.cmpi ne, %select_n3A_310, %select_n3A_352 : i32
        %or3A = arith.constant false
        %or3A_355 = arith.ori %or3A, %ne3A_353 : i1
        %or3A_356 = arith.ori %or3A_355, %ne3A_354 : i1
        %ge3A = arith.constant 49 : i32
        %ge3A_357 = arith.cmpi sge, %scan3A_229, %ge3A : i32
        %not3A = arith.constant true
        %not3A_358 = arith.xori %ge3A_357, %not3A : i1
        %and3A_359 = arith.andi %or3A_356, %not3A_358 : i1
        %convert_element_type3A = arith.extui %and3A_359 : i1 to i32
        %cond3A = arith.constant 0 : i32
        %cond3A_360 = arith.cmpi ne, %convert_element_type3A, %cond3A : i32
        scf.if %cond3A_360 {
          "tpu.trace_start"() <{level = 10 : i32, message = "ep_copy_in"}> : () -> ()
          %rem3A_1721 = arith.constant 2 : i32
          %rem3A_1722 = arith.remui %scan3A_230, %rem3A_1721 : i32
          %jit3A_1723 = arith.constant 64 : i32
          %div3A_1724 = arith.divsi %add3A_259, %jit3A_1723 : i32
          %sign3A_1725 = arith.constant 0 : i32
          %sign3A_1726 = arith.cmpi sgt, %add3A_259, %sign3A_1725 : i32
          %sign3A_1727 = arith.extui %sign3A_1726 : i1 to i32
          %sign3A_1728 = arith.constant 0 : i32
          %sign3A_1729 = arith.cmpi slt, %add3A_259, %sign3A_1728 : i32
          %sign3A_1730 = arith.extui %sign3A_1729 : i1 to i32
          %sign3A_1731 = arith.subi %sign3A_1727, %sign3A_1730 : i32
          %sign3A_1732 = arith.constant 0 : i32
          %sign3A_1733 = arith.cmpi sgt, %jit3A_1723, %sign3A_1732 : i32
          %sign3A_1734 = arith.extui %sign3A_1733 : i1 to i32
          %sign3A_1735 = arith.constant 0 : i32
          %sign3A_1736 = arith.cmpi slt, %jit3A_1723, %sign3A_1735 : i32
          %sign3A_1737 = arith.extui %sign3A_1736 : i1 to i32
          %sign3A_1738 = arith.subi %sign3A_1734, %sign3A_1737 : i32
          %ne3A_1739 = arith.cmpi ne, %sign3A_1731, %sign3A_1738 : i32
          %rem3A_1740 = arith.remsi %add3A_259, %jit3A_1723 : i32
          %ne3A_1741 = arith.constant 0 : i32
          %ne3A_1742 = arith.cmpi ne, %rem3A_1740, %ne3A_1741 : i32
          %and3A_1743 = arith.andi %ne3A_1739, %ne3A_1742 : i1
          %sub3A_1744 = arith.constant 1 : i32
          %sub3A_1745 = arith.subi %div3A_1724, %sub3A_1744 : i32
          %select_n3A_1746 = arith.select %and3A_1743, %sub3A_1745, %div3A_1724 : i32
          %mul3A_1747 = arith.constant 2 : i32
          %mul3A_1748 = arith.muli %mul3A_1747, %select_n3A_1746 : i32
          %jit3A_1749 = arith.constant 64 : i32
          %eq3A_1750 = arith.constant 0 : i32
          %eq3A_1751 = arith.cmpi eq, %jit3A_1749, %eq3A_1750 : i32
          %jit3A_1752 = arith.constant 1 : i32
          %select_n3A_1753 = arith.select %eq3A_1751, %jit3A_1752, %jit3A_1749 : i32
          %rem3A_1754 = arith.remsi %add3A_259, %select_n3A_1753 : i32
          %ne3A_1755 = arith.constant 0 : i32
          %ne3A_1756 = arith.cmpi ne, %rem3A_1754, %ne3A_1755 : i32
          %lt3A_1757 = arith.constant 0 : i32
          %lt3A_1758 = arith.cmpi slt, %rem3A_1754, %lt3A_1757 : i32
          %lt3A_1759 = arith.constant 0 : i32
          %lt3A_1760 = arith.cmpi slt, %select_n3A_1753, %lt3A_1759 : i32
          %ne3A_1761 = arith.xori %lt3A_1758, %lt3A_1760 : i1
          %and3A_1762 = arith.andi %ne3A_1761, %ne3A_1756 : i1
          %add3A_1763 = arith.addi %rem3A_1754, %select_n3A_1753 : i32
          %select_n3A_1764 = arith.select %and3A_1762, %add3A_1763, %rem3A_1754 : i32
          %mul3A_1765 = arith.constant 1 : i32
          %mul3A_1766 = arith.muli %mul3A_1765, %mul3A_1748 : i32
          %mul3A_1767 = arith.constant 256 : i32
          %mul3A_1768 = arith.muli %mul3A_1767, %select_n3A_1764 : i32
          %dma_start3A_1769 = arith.constant 0 : i32
          %dma_start3A_1770 = arith.constant 0 : i32
          %dma_start3A_1771 = tpu.memref_slice %run_scoped3A[%rem3A_1722, %dma_start3A_1769, %dma_start3A_1770] : memref<2x1x256xi32, #tpu.memory_space<vmem>> -> memref<1x1x256xi32, #tpu.memory_space<vmem>>
          %dma_start3A_1772 = tpu.memref_squeeze %dma_start3A_1771 : memref<1x1x256xi32, #tpu.memory_space<vmem>> -> memref<1x256xi32, #tpu.memory_space<vmem>>
          %dma_start3A_1773 = tpu.memref_slice %arg3[%mul3A_1766, %mul3A_1768] : memref<50x16384xi32, #tpu.memory_space<hbm>> -> memref<1x256xi32, #tpu.memory_space<hbm>>
          %dma_start3A_1774 = tpu.memref_slice %run_scoped3A_7[%rem3A_1722] : memref<2x!tpu.dma_semaphore, #tpu.memory_space<semaphore_mem>> -> memref<1x!tpu.dma_semaphore, #tpu.memory_space<semaphore_mem>>
          %dma_start3A_1775 = tpu.memref_squeeze %dma_start3A_1774 : memref<1x!tpu.dma_semaphore, #tpu.memory_space<semaphore_mem>> -> memref<!tpu.dma_semaphore, #tpu.memory_space<semaphore_mem>>
          %dma_start3A_1776 = arith.constant 0 : i32
          %dma_start3A_1777 = arith.constant 0 : i32
          %dma_start3A_1778 = tpu.memref_slice %run_scoped3A[%rem3A_1722, %dma_start3A_1776, %dma_start3A_1777] : memref<2x1x256xi32, #tpu.memory_space<vmem>> -> memref<1x1x256xi32, #tpu.memory_space<vmem>>
          %dma_start3A_1779 = tpu.memref_squeeze %dma_start3A_1778 : memref<1x1x256xi32, #tpu.memory_space<vmem>> -> memref<1x256xi32, #tpu.memory_space<vmem>>
          %dma_start3A_1780 = tpu.memref_slice %arg3[%mul3A_1766, %mul3A_1768] : memref<50x16384xi32, #tpu.memory_space<hbm>> -> memref<1x256xi32, #tpu.memory_space<hbm>>
          tpu.enqueue_dma source(%dma_start3A_1780 : memref<1x256xi32, #tpu.memory_space<hbm>>) target(%dma_start3A_1779 : memref<1x256xi32, #tpu.memory_space<vmem>>) target_semaphore(%dma_start3A_1775 : memref<!tpu.dma_semaphore, #tpu.memory_space<semaphore_mem>>)
          "tpu.trace_stop"() : () -> ()
        } else {
        }
        %and3A_361 = arith.constant true
        %and3A_362 = arith.andi %and3A_359, %and3A_361 : i1
        %add3A_363 = arith.constant 1 : i32
        %add3A_364 = arith.addi %scan3A_230, %add3A_363 : i32
        %select_n3A_365 = arith.select %and3A_362, %add3A_364, %scan3A_230 : i32
        %jit3A_366 = arith.constant 64 : i32
        %div3A_367 = arith.divsi %add3A_241, %jit3A_366 : i32
        %sign3A_368 = arith.constant 0 : i32
        %sign3A_369 = arith.cmpi sgt, %add3A_241, %sign3A_368 : i32
        %sign3A_370 = arith.extui %sign3A_369 : i1 to i32
        %sign3A_371 = arith.constant 0 : i32
        %sign3A_372 = arith.cmpi slt, %add3A_241, %sign3A_371 : i32
        %sign3A_373 = arith.extui %sign3A_372 : i1 to i32
        %sign3A_374 = arith.subi %sign3A_370, %sign3A_373 : i32
        %sign3A_375 = arith.constant 0 : i32
        %sign3A_376 = arith.cmpi sgt, %jit3A_366, %sign3A_375 : i32
        %sign3A_377 = arith.extui %sign3A_376 : i1 to i32
        %sign3A_378 = arith.constant 0 : i32
        %sign3A_379 = arith.cmpi slt, %jit3A_366, %sign3A_378 : i32
        %sign3A_380 = arith.extui %sign3A_379 : i1 to i32
        %sign3A_381 = arith.subi %sign3A_377, %sign3A_380 : i32
        %ne3A_382 = arith.cmpi ne, %sign3A_374, %sign3A_381 : i32
        %rem3A_383 = arith.remsi %add3A_241, %jit3A_366 : i32
        %ne3A_384 = arith.constant 0 : i32
        %ne3A_385 = arith.cmpi ne, %rem3A_383, %ne3A_384 : i32
        %and3A_386 = arith.andi %ne3A_382, %ne3A_385 : i1
        %sub3A_387 = arith.constant 1 : i32
        %sub3A_388 = arith.subi %div3A_367, %sub3A_387 : i32
        %select_n3A_389 = arith.select %and3A_386, %sub3A_388, %div3A_367 : i32
        %mul3A_390 = arith.constant 2 : i32
        %mul3A_391 = arith.muli %mul3A_390, %select_n3A_389 : i32
        %add3A_392 = arith.constant 1 : i32
        %add3A_393 = arith.addi %mul3A_391, %add3A_392 : i32
        %jit3A_394 = arith.constant 64 : i32
        %eq3A_395 = arith.constant 0 : i32
        %eq3A_396 = arith.cmpi eq, %jit3A_394, %eq3A_395 : i32
        %jit3A_397 = arith.constant 1 : i32
        %select_n3A_398 = arith.select %eq3A_396, %jit3A_397, %jit3A_394 : i32
        %rem3A_399 = arith.remsi %add3A_241, %select_n3A_398 : i32
        %ne3A_400 = arith.constant 0 : i32
        %ne3A_401 = arith.cmpi ne, %rem3A_399, %ne3A_400 : i32
        %lt3A_402 = arith.constant 0 : i32
        %lt3A_403 = arith.cmpi slt, %rem3A_399, %lt3A_402 : i32
        %lt3A_404 = arith.constant 0 : i32
        %lt3A_405 = arith.cmpi slt, %select_n3A_398, %lt3A_404 : i32
        %ne3A_406 = arith.xori %lt3A_403, %lt3A_405 : i1
        %and3A_407 = arith.andi %ne3A_406, %ne3A_401 : i1
        %add3A_408 = arith.addi %rem3A_399, %select_n3A_398 : i32
        %select_n3A_409 = arith.select %and3A_407, %add3A_408, %rem3A_399 : i32
        %jit3A_410 = arith.constant 64 : i32
        %div3A_411 = arith.divsi %add3A_259, %jit3A_410 : i32
        %sign3A_412 = arith.constant 0 : i32
        %sign3A_413 = arith.cmpi sgt, %add3A_259, %sign3A_412 : i32
        %sign3A_414 = arith.extui %sign3A_413 : i1 to i32
        %sign3A_415 = arith.constant 0 : i32
        %sign3A_416 = arith.cmpi slt, %add3A_259, %sign3A_415 : i32
        %sign3A_417 = arith.extui %sign3A_416 : i1 to i32
        %sign3A_418 = arith.subi %sign3A_414, %sign3A_417 : i32
        %sign3A_419 = arith.constant 0 : i32
        %sign3A_420 = arith.cmpi sgt, %jit3A_410, %sign3A_419 : i32
        %sign3A_421 = arith.extui %sign3A_420 : i1 to i32
        %sign3A_422 = arith.constant 0 : i32
        %sign3A_423 = arith.cmpi slt, %jit3A_410, %sign3A_422 : i32
        %sign3A_424 = arith.extui %sign3A_423 : i1 to i32
        %sign3A_425 = arith.subi %sign3A_421, %sign3A_424 : i32
        %ne3A_426 = arith.cmpi ne, %sign3A_418, %sign3A_425 : i32
        %rem3A_427 = arith.remsi %add3A_259, %jit3A_410 : i32
        %ne3A_428 = arith.constant 0 : i32
        %ne3A_429 = arith.cmpi ne, %rem3A_427, %ne3A_428 : i32
        %and3A_430 = arith.andi %ne3A_426, %ne3A_429 : i1
        %sub3A_431 = arith.constant 1 : i32
        %sub3A_432 = arith.subi %div3A_411, %sub3A_431 : i32
        %select_n3A_433 = arith.select %and3A_430, %sub3A_432, %div3A_411 : i32
        %mul3A_434 = arith.constant 2 : i32
        %mul3A_435 = arith.muli %mul3A_434, %select_n3A_433 : i32
        %add3A_436 = arith.constant 1 : i32
        %add3A_437 = arith.addi %mul3A_435, %add3A_436 : i32
        %jit3A_438 = arith.constant 64 : i32
        %eq3A_439 = arith.constant 0 : i32
        %eq3A_440 = arith.cmpi eq, %jit3A_438, %eq3A_439 : i32
        %jit3A_441 = arith.constant 1 : i32
        %select_n3A_442 = arith.select %eq3A_440, %jit3A_441, %jit3A_438 : i32
        %rem3A_443 = arith.remsi %add3A_259, %select_n3A_442 : i32
        %ne3A_444 = arith.constant 0 : i32
        %ne3A_445 = arith.cmpi ne, %rem3A_443, %ne3A_444 : i32
        %lt3A_446 = arith.constant 0 : i32
        %lt3A_447 = arith.cmpi slt, %rem3A_443, %lt3A_446 : i32
        %lt3A_448 = arith.constant 0 : i32
        %lt3A_449 = arith.cmpi slt, %select_n3A_442, %lt3A_448 : i32
        %ne3A_450 = arith.xori %lt3A_447, %lt3A_449 : i1
        %and3A_451 = arith.andi %ne3A_450, %ne3A_445 : i1
        %add3A_452 = arith.addi %rem3A_443, %select_n3A_442 : i32
        %select_n3A_453 = arith.select %and3A_451, %add3A_452, %rem3A_443 : i32
        %ne3A_454 = arith.cmpi ne, %add3A_393, %add3A_437 : i32
        %ne3A_455 = arith.cmpi ne, %select_n3A_409, %select_n3A_453 : i32
        %or3A_456 = arith.constant false
        %or3A_457 = arith.ori %or3A_456, %ne3A_454 : i1
        %or3A_458 = arith.ori %or3A_457, %ne3A_455 : i1
        %ge3A_459 = arith.constant 49 : i32
        %ge3A_460 = arith.cmpi sge, %scan3A_229, %ge3A_459 : i32
        %not3A_461 = arith.constant true
        %not3A_462 = arith.xori %ge3A_460, %not3A_461 : i1
        %and3A_463 = arith.andi %or3A_458, %not3A_462 : i1
        %convert_element_type3A_464 = arith.extui %and3A_463 : i1 to i32
        %cond3A_465 = arith.constant 0 : i32
        %cond3A_466 = arith.cmpi ne, %convert_element_type3A_464, %cond3A_465 : i32
        scf.if %cond3A_466 {
          "tpu.trace_start"() <{level = 10 : i32, message = "ep_copy_in"}> : () -> ()
          %rem3A_1721 = arith.constant 2 : i32
          %rem3A_1722 = arith.remui %scan3A_232, %rem3A_1721 : i32
          %jit3A_1723 = arith.constant 64 : i32
          %div3A_1724 = arith.divsi %add3A_259, %jit3A_1723 : i32
          %sign3A_1725 = arith.constant 0 : i32
          %sign3A_1726 = arith.cmpi sgt, %add3A_259, %sign3A_1725 : i32
          %sign3A_1727 = arith.extui %sign3A_1726 : i1 to i32
          %sign3A_1728 = arith.constant 0 : i32
          %sign3A_1729 = arith.cmpi slt, %add3A_259, %sign3A_1728 : i32
          %sign3A_1730 = arith.extui %sign3A_1729 : i1 to i32
          %sign3A_1731 = arith.subi %sign3A_1727, %sign3A_1730 : i32
          %sign3A_1732 = arith.constant 0 : i32
          %sign3A_1733 = arith.cmpi sgt, %jit3A_1723, %sign3A_1732 : i32
          %sign3A_1734 = arith.extui %sign3A_1733 : i1 to i32
          %sign3A_1735 = arith.constant 0 : i32
          %sign3A_1736 = arith.cmpi slt, %jit3A_1723, %sign3A_1735 : i32
          %sign3A_1737 = arith.extui %sign3A_1736 : i1 to i32
          %sign3A_1738 = arith.subi %sign3A_1734, %sign3A_1737 : i32
          %ne3A_1739 = arith.cmpi ne, %sign3A_1731, %sign3A_1738 : i32
          %rem3A_1740 = arith.remsi %add3A_259, %jit3A_1723 : i32
          %ne3A_1741 = arith.constant 0 : i32
          %ne3A_1742 = arith.cmpi ne, %rem3A_1740, %ne3A_1741 : i32
          %and3A_1743 = arith.andi %ne3A_1739, %ne3A_1742 : i1
          %sub3A_1744 = arith.constant 1 : i32
          %sub3A_1745 = arith.subi %div3A_1724, %sub3A_1744 : i32
          %select_n3A_1746 = arith.select %and3A_1743, %sub3A_1745, %div3A_1724 : i32
          %mul3A_1747 = arith.constant 2 : i32
          %mul3A_1748 = arith.muli %mul3A_1747, %select_n3A_1746 : i32
          %add3A_1749 = arith.constant 1 : i32
          %add3A_1750 = arith.addi %mul3A_1748, %add3A_1749 : i32
          %jit3A_1751 = arith.constant 64 : i32
          %eq3A_1752 = arith.constant 0 : i32
          %eq3A_1753 = arith.cmpi eq, %jit3A_1751, %eq3A_1752 : i32
          %jit3A_1754 = arith.constant 1 : i32
          %select_n3A_1755 = arith.select %eq3A_1753, %jit3A_1754, %jit3A_1751 : i32
          %rem3A_1756 = arith.remsi %add3A_259, %select_n3A_1755 : i32
          %ne3A_1757 = arith.constant 0 : i32
          %ne3A_1758 = arith.cmpi ne, %rem3A_1756, %ne3A_1757 : i32
          %lt3A_1759 = arith.constant 0 : i32
          %lt3A_1760 = arith.cmpi slt, %rem3A_1756, %lt3A_1759 : i32
          %lt3A_1761 = arith.constant 0 : i32
          %lt3A_1762 = arith.cmpi slt, %select_n3A_1755, %lt3A_1761 : i32
          %ne3A_1763 = arith.xori %lt3A_1760, %lt3A_1762 : i1
          %and3A_1764 = arith.andi %ne3A_1763, %ne3A_1758 : i1
          %add3A_1765 = arith.addi %rem3A_1756, %select_n3A_1755 : i32
          %select_n3A_1766 = arith.select %and3A_1764, %add3A_1765, %rem3A_1756 : i32
          %mul3A_1767 = arith.constant 1 : i32
          %mul3A_1768 = arith.muli %mul3A_1767, %add3A_1750 : i32
          %mul3A_1769 = arith.constant 256 : i32
          %mul3A_1770 = arith.muli %mul3A_1769, %select_n3A_1766 : i32
          %dma_start3A_1771 = arith.constant 0 : i32
          %dma_start3A_1772 = arith.constant 0 : i32
          %dma_start3A_1773 = tpu.memref_slice %run_scoped3A_8[%rem3A_1722, %dma_start3A_1771, %dma_start3A_1772] : memref<2x1x256xi32, #tpu.memory_space<vmem>> -> memref<1x1x256xi32, #tpu.memory_space<vmem>>
          %dma_start3A_1774 = tpu.memref_squeeze %dma_start3A_1773 : memref<1x1x256xi32, #tpu.memory_space<vmem>> -> memref<1x256xi32, #tpu.memory_space<vmem>>
          %dma_start3A_1775 = tpu.memref_slice %arg3[%mul3A_1768, %mul3A_1770] : memref<50x16384xi32, #tpu.memory_space<hbm>> -> memref<1x256xi32, #tpu.memory_space<hbm>>
          %dma_start3A_1776 = tpu.memref_slice %run_scoped3A_9[%rem3A_1722] : memref<2x!tpu.dma_semaphore, #tpu.memory_space<semaphore_mem>> -> memref<1x!tpu.dma_semaphore, #tpu.memory_space<semaphore_mem>>
          %dma_start3A_1777 = tpu.memref_squeeze %dma_start3A_1776 : memref<1x!tpu.dma_semaphore, #tpu.memory_space<semaphore_mem>> -> memref<!tpu.dma_semaphore, #tpu.memory_space<semaphore_mem>>
          %dma_start3A_1778 = arith.constant 0 : i32
          %dma_start3A_1779 = arith.constant 0 : i32
          %dma_start3A_1780 = tpu.memref_slice %run_scoped3A_8[%rem3A_1722, %dma_start3A_1778, %dma_start3A_1779] : memref<2x1x256xi32, #tpu.memory_space<vmem>> -> memref<1x1x256xi32, #tpu.memory_space<vmem>>
          %dma_start3A_1781 = tpu.memref_squeeze %dma_start3A_1780 : memref<1x1x256xi32, #tpu.memory_space<vmem>> -> memref<1x256xi32, #tpu.memory_space<vmem>>
          %dma_start3A_1782 = tpu.memref_slice %arg3[%mul3A_1768, %mul3A_1770] : memref<50x16384xi32, #tpu.memory_space<hbm>> -> memref<1x256xi32, #tpu.memory_space<hbm>>
          tpu.enqueue_dma source(%dma_start3A_1782 : memref<1x256xi32, #tpu.memory_space<hbm>>) target(%dma_start3A_1781 : memref<1x256xi32, #tpu.memory_space<vmem>>) target_semaphore(%dma_start3A_1777 : memref<!tpu.dma_semaphore, #tpu.memory_space<semaphore_mem>>)
          "tpu.trace_stop"() : () -> ()
        } else {
        }
        %and3A_467 = arith.constant true
        %and3A_468 = arith.andi %and3A_463, %and3A_467 : i1
        %add3A_469 = arith.constant 1 : i32
        %add3A_470 = arith.addi %scan3A_232, %add3A_469 : i32
        %select_n3A_471 = arith.select %and3A_468, %add3A_470, %scan3A_232 : i32
        %ne3A_472 = arith.cmpi ne, %add3A_241, %add3A_259 : i32
        %or3A_473 = arith.constant false
        %or3A_474 = arith.ori %or3A_473, %ne3A_472 : i1
        %or3A_475 = arith.constant false
        %or3A_476 = arith.ori %or3A_474, %or3A_475 : i1
        %ge3A_477 = arith.constant 49 : i32
        %ge3A_478 = arith.cmpi sge, %scan3A_229, %ge3A_477 : i32
        %not3A_479 = arith.constant true
        %not3A_480 = arith.xori %ge3A_478, %not3A_479 : i1
        %and3A_481 = arith.andi %or3A_476, %not3A_480 : i1
        %jit3A_482 = arith.constant 64 : i32
        %div3A_483 = arith.divsi %add3A_241, %jit3A_482 : i32
        %sign3A_484 = arith.constant 0 : i32
        %sign3A_485 = arith.cmpi sgt, %add3A_241, %sign3A_484 : i32
        %sign3A_486 = arith.extui %sign3A_485 : i1 to i32
        %sign3A_487 = arith.constant 0 : i32
        %sign3A_488 = arith.cmpi slt, %add3A_241, %sign3A_487 : i32
        %sign3A_489 = arith.extui %sign3A_488 : i1 to i32
        %sign3A_490 = arith.subi %sign3A_486, %sign3A_489 : i32
        %sign3A_491 = arith.constant 0 : i32
        %sign3A_492 = arith.cmpi sgt, %jit3A_482, %sign3A_491 : i32
        %sign3A_493 = arith.extui %sign3A_492 : i1 to i32
        %sign3A_494 = arith.constant 0 : i32
        %sign3A_495 = arith.cmpi slt, %jit3A_482, %sign3A_494 : i32
        %sign3A_496 = arith.extui %sign3A_495 : i1 to i32
        %sign3A_497 = arith.subi %sign3A_493, %sign3A_496 : i32
        %ne3A_498 = arith.cmpi ne, %sign3A_490, %sign3A_497 : i32
        %rem3A_499 = arith.remsi %add3A_241, %jit3A_482 : i32
        %ne3A_500 = arith.constant 0 : i32
        %ne3A_501 = arith.cmpi ne, %rem3A_499, %ne3A_500 : i32
        %and3A_502 = arith.andi %ne3A_498, %ne3A_501 : i1
        %sub3A_503 = arith.constant 1 : i32
        %sub3A_504 = arith.subi %div3A_483, %sub3A_503 : i32
        %select_n3A_505 = arith.select %and3A_502, %sub3A_504, %div3A_483 : i32
        %mul3A_506 = arith.constant 2 : i32
        %mul3A_507 = arith.muli %mul3A_506, %select_n3A_505 : i32
        %jit3A_508 = arith.constant 64 : i32
        %eq3A_509 = arith.constant 0 : i32
        %eq3A_510 = arith.cmpi eq, %jit3A_508, %eq3A_509 : i32
        %jit3A_511 = arith.constant 1 : i32
        %select_n3A_512 = arith.select %eq3A_510, %jit3A_511, %jit3A_508 : i32
        %rem3A_513 = arith.remsi %add3A_241, %select_n3A_512 : i32
        %ne3A_514 = arith.constant 0 : i32
        %ne3A_515 = arith.cmpi ne, %rem3A_513, %ne3A_514 : i32
        %lt3A_516 = arith.constant 0 : i32
        %lt3A_517 = arith.cmpi slt, %rem3A_513, %lt3A_516 : i32
        %lt3A_518 = arith.constant 0 : i32
        %lt3A_519 = arith.cmpi slt, %select_n3A_512, %lt3A_518 : i32
        %ne3A_520 = arith.xori %lt3A_517, %lt3A_519 : i1
        %and3A_521 = arith.andi %ne3A_520, %ne3A_515 : i1
        %add3A_522 = arith.addi %rem3A_513, %select_n3A_512 : i32
        %select_n3A_523 = arith.select %and3A_521, %add3A_522, %rem3A_513 : i32
        %jit3A_524 = arith.constant 64 : i32
        %div3A_525 = arith.divsi %add3A_250, %jit3A_524 : i32
        %sign3A_526 = arith.constant 0 : i32
        %sign3A_527 = arith.cmpi sgt, %add3A_250, %sign3A_526 : i32
        %sign3A_528 = arith.extui %sign3A_527 : i1 to i32
        %sign3A_529 = arith.constant 0 : i32
        %sign3A_530 = arith.cmpi slt, %add3A_250, %sign3A_529 : i32
        %sign3A_531 = arith.extui %sign3A_530 : i1 to i32
        %sign3A_532 = arith.subi %sign3A_528, %sign3A_531 : i32
        %sign3A_533 = arith.constant 0 : i32
        %sign3A_534 = arith.cmpi sgt, %jit3A_524, %sign3A_533 : i32
        %sign3A_535 = arith.extui %sign3A_534 : i1 to i32
        %sign3A_536 = arith.constant 0 : i32
        %sign3A_537 = arith.cmpi slt, %jit3A_524, %sign3A_536 : i32
        %sign3A_538 = arith.extui %sign3A_537 : i1 to i32
        %sign3A_539 = arith.subi %sign3A_535, %sign3A_538 : i32
        %ne3A_540 = arith.cmpi ne, %sign3A_532, %sign3A_539 : i32
        %rem3A_541 = arith.remsi %add3A_250, %jit3A_524 : i32
        %ne3A_542 = arith.constant 0 : i32
        %ne3A_543 = arith.cmpi ne, %rem3A_541, %ne3A_542 : i32
        %and3A_544 = arith.andi %ne3A_540, %ne3A_543 : i1
        %sub3A_545 = arith.constant 1 : i32
        %sub3A_546 = arith.subi %div3A_525, %sub3A_545 : i32
        %select_n3A_547 = arith.select %and3A_544, %sub3A_546, %div3A_525 : i32
        %mul3A_548 = arith.constant 2 : i32
        %mul3A_549 = arith.muli %mul3A_548, %select_n3A_547 : i32
        %jit3A_550 = arith.constant 64 : i32
        %eq3A_551 = arith.constant 0 : i32
        %eq3A_552 = arith.cmpi eq, %jit3A_550, %eq3A_551 : i32
        %jit3A_553 = arith.constant 1 : i32
        %select_n3A_554 = arith.select %eq3A_552, %jit3A_553, %jit3A_550 : i32
        %rem3A_555 = arith.remsi %add3A_250, %select_n3A_554 : i32
        %ne3A_556 = arith.constant 0 : i32
        %ne3A_557 = arith.cmpi ne, %rem3A_555, %ne3A_556 : i32
        %lt3A_558 = arith.constant 0 : i32
        %lt3A_559 = arith.cmpi slt, %rem3A_555, %lt3A_558 : i32
        %lt3A_560 = arith.constant 0 : i32
        %lt3A_561 = arith.cmpi slt, %select_n3A_554, %lt3A_560 : i32
        %ne3A_562 = arith.xori %lt3A_559, %lt3A_561 : i1
        %and3A_563 = arith.andi %ne3A_562, %ne3A_557 : i1
        %add3A_564 = arith.addi %rem3A_555, %select_n3A_554 : i32
        %select_n3A_565 = arith.select %and3A_563, %add3A_564, %rem3A_555 : i32
        %ne3A_566 = arith.cmpi ne, %mul3A_507, %mul3A_549 : i32
        %ne3A_567 = arith.cmpi ne, %select_n3A_523, %select_n3A_565 : i32
        %or3A_568 = arith.constant false
        %or3A_569 = arith.ori %or3A_568, %ne3A_566 : i1
        %or3A_570 = arith.ori %or3A_569, %ne3A_567 : i1
        %or3A_571 = arith.ori %or3A_570, %eq3A_238 : i1
        %convert_element_type3A_572 = arith.extui %or3A_571 : i1 to i32
        %cond3A_573 = arith.constant 0 : i32
        %cond3A_574 = arith.cmpi ne, %convert_element_type3A_572, %cond3A_573 : i32
        scf.if %cond3A_574 {
          %jit3A_1721 = arith.constant 64 : i32
          "tpu.trace_start"() <{level = 10 : i32, message = "ep_wait_in"}> : () -> ()
          %div3A_1722 = arith.divsi %add3A_241, %jit3A_1721 : i32
          %sign3A_1723 = arith.constant 0 : i32
          %sign3A_1724 = arith.cmpi sgt, %add3A_241, %sign3A_1723 : i32
          %sign3A_1725 = arith.extui %sign3A_1724 : i1 to i32
          %sign3A_1726 = arith.constant 0 : i32
          %sign3A_1727 = arith.cmpi slt, %add3A_241, %sign3A_1726 : i32
          %sign3A_1728 = arith.extui %sign3A_1727 : i1 to i32
          %sign3A_1729 = arith.subi %sign3A_1725, %sign3A_1728 : i32
          %sign3A_1730 = arith.constant 0 : i32
          %sign3A_1731 = arith.cmpi sgt, %jit3A_1721, %sign3A_1730 : i32
          %sign3A_1732 = arith.extui %sign3A_1731 : i1 to i32
          %sign3A_1733 = arith.constant 0 : i32
          %sign3A_1734 = arith.cmpi slt, %jit3A_1721, %sign3A_1733 : i32
          %sign3A_1735 = arith.extui %sign3A_1734 : i1 to i32
          %sign3A_1736 = arith.subi %sign3A_1732, %sign3A_1735 : i32
          %ne3A_1737 = arith.cmpi ne, %sign3A_1729, %sign3A_1736 : i32
          %rem3A_1738 = arith.remsi %add3A_241, %jit3A_1721 : i32
          %ne3A_1739 = arith.constant 0 : i32
          %ne3A_1740 = arith.cmpi ne, %rem3A_1738, %ne3A_1739 : i32
          %and3A_1741 = arith.andi %ne3A_1737, %ne3A_1740 : i1
          %sub3A_1742 = arith.constant 1 : i32
          %sub3A_1743 = arith.subi %div3A_1722, %sub3A_1742 : i32
          %select_n3A_1744 = arith.select %and3A_1741, %sub3A_1743, %div3A_1722 : i32
          %mul3A_1745 = arith.constant 2 : i32
          %mul3A_1746 = arith.muli %mul3A_1745, %select_n3A_1744 : i32
          %jit3A_1747 = arith.constant 64 : i32
          %eq3A_1748 = arith.constant 0 : i32
          %eq3A_1749 = arith.cmpi eq, %jit3A_1747, %eq3A_1748 : i32
          %jit3A_1750 = arith.constant 1 : i32
          %select_n3A_1751 = arith.select %eq3A_1749, %jit3A_1750, %jit3A_1747 : i32
          %rem3A_1752 = arith.remsi %add3A_241, %select_n3A_1751 : i32
          %ne3A_1753 = arith.constant 0 : i32
          %ne3A_1754 = arith.cmpi ne, %rem3A_1752, %ne3A_1753 : i32
          %lt3A_1755 = arith.constant 0 : i32
          %lt3A_1756 = arith.cmpi slt, %rem3A_1752, %lt3A_1755 : i32
          %lt3A_1757 = arith.constant 0 : i32
          %lt3A_1758 = arith.cmpi slt, %select_n3A_1751, %lt3A_1757 : i32
          %ne3A_1759 = arith.xori %lt3A_1756, %lt3A_1758 : i1
          %and3A_1760 = arith.andi %ne3A_1759, %ne3A_1754 : i1
          %add3A_1761 = arith.addi %rem3A_1752, %select_n3A_1751 : i32
          %select_n3A_1762 = arith.select %and3A_1760, %add3A_1761, %rem3A_1752 : i32
          %mul3A_1763 = arith.constant 1 : i32
          %mul3A_1764 = arith.muli %mul3A_1763, %mul3A_1746 : i32
          %mul3A_1765 = arith.constant 256 : i32
          %mul3A_1766 = arith.muli %mul3A_1765, %select_n3A_1762 : i32
          %rem3A_1767 = arith.constant 2 : i32
          %rem3A_1768 = arith.remui %scan3A_231, %rem3A_1767 : i32
          %dma_wait3A_1769 = arith.constant 0 : i32
          %dma_wait3A_1770 = arith.constant 0 : i32
          %dma_wait3A_1771 = tpu.memref_slice %run_scoped3A[%rem3A_1768, %dma_wait3A_1769, %dma_wait3A_1770] : memref<2x1x256xi32, #tpu.memory_space<vmem>> -> memref<1x1x256xi32, #tpu.memory_space<vmem>>
          %dma_wait3A_1772 = tpu.memref_squeeze %dma_wait3A_1771 : memref<1x1x256xi32, #tpu.memory_space<vmem>> -> memref<1x256xi32, #tpu.memory_space<vmem>>
          %dma_wait3A_1773 = tpu.memref_slice %arg3[%mul3A_1764, %mul3A_1766] : memref<50x16384xi32, #tpu.memory_space<hbm>> -> memref<1x256xi32, #tpu.memory_space<hbm>>
          %dma_wait3A_1774 = tpu.memref_slice %run_scoped3A_7[%rem3A_1768] : memref<2x!tpu.dma_semaphore, #tpu.memory_space<semaphore_mem>> -> memref<1x!tpu.dma_semaphore, #tpu.memory_space<semaphore_mem>>
          %dma_wait3A_1775 = tpu.memref_squeeze %dma_wait3A_1774 : memref<1x!tpu.dma_semaphore, #tpu.memory_space<semaphore_mem>> -> memref<!tpu.dma_semaphore, #tpu.memory_space<semaphore_mem>>
          %dma_wait3A_1776 = arith.constant 0 : i32
          %dma_wait3A_1777 = arith.constant 0 : i32
          %dma_wait3A_1778 = tpu.memref_slice %run_scoped3A[%rem3A_1768, %dma_wait3A_1776, %dma_wait3A_1777] : memref<2x1x256xi32, #tpu.memory_space<vmem>> -> memref<1x1x256xi32, #tpu.memory_space<vmem>>
          %dma_wait3A_1779 = tpu.memref_squeeze %dma_wait3A_1778 : memref<1x1x256xi32, #tpu.memory_space<vmem>> -> memref<1x256xi32, #tpu.memory_space<vmem>>
          %dma_wait3A_1780 = tpu.memref_slice %arg3[%mul3A_1764, %mul3A_1766] : memref<50x16384xi32, #tpu.memory_space<hbm>> -> memref<1x256xi32, #tpu.memory_space<hbm>>
          tpu.wait_dma2 semaphore(%dma_wait3A_1775 : memref<!tpu.dma_semaphore, #tpu.memory_space<semaphore_mem>>) src(%dma_wait3A_1780 : memref<1x256xi32, #tpu.memory_space<hbm>>) dst(%dma_wait3A_1779 : memref<1x256xi32, #tpu.memory_space<vmem>>)
          "tpu.trace_stop"() : () -> ()
        } else {
        }
        %jit3A_575 = arith.constant 64 : i32
        %div3A_576 = arith.divsi %add3A_241, %jit3A_575 : i32
        %sign3A_577 = arith.constant 0 : i32
        %sign3A_578 = arith.cmpi sgt, %add3A_241, %sign3A_577 : i32
        %sign3A_579 = arith.extui %sign3A_578 : i1 to i32
        %sign3A_580 = arith.constant 0 : i32
        %sign3A_581 = arith.cmpi slt, %add3A_241, %sign3A_580 : i32
        %sign3A_582 = arith.extui %sign3A_581 : i1 to i32
        %sign3A_583 = arith.subi %sign3A_579, %sign3A_582 : i32
        %sign3A_584 = arith.constant 0 : i32
        %sign3A_585 = arith.cmpi sgt, %jit3A_575, %sign3A_584 : i32
        %sign3A_586 = arith.extui %sign3A_585 : i1 to i32
        %sign3A_587 = arith.constant 0 : i32
        %sign3A_588 = arith.cmpi slt, %jit3A_575, %sign3A_587 : i32
        %sign3A_589 = arith.extui %sign3A_588 : i1 to i32
        %sign3A_590 = arith.subi %sign3A_586, %sign3A_589 : i32
        %ne3A_591 = arith.cmpi ne, %sign3A_583, %sign3A_590 : i32
        %rem3A_592 = arith.remsi %add3A_241, %jit3A_575 : i32
        %ne3A_593 = arith.constant 0 : i32
        %ne3A_594 = arith.cmpi ne, %rem3A_592, %ne3A_593 : i32
        %and3A_595 = arith.andi %ne3A_591, %ne3A_594 : i1
        %sub3A_596 = arith.constant 1 : i32
        %sub3A_597 = arith.subi %div3A_576, %sub3A_596 : i32
        %select_n3A_598 = arith.select %and3A_595, %sub3A_597, %div3A_576 : i32
        %mul3A_599 = arith.constant 2 : i32
        %mul3A_600 = arith.muli %mul3A_599, %select_n3A_598 : i32
        %add3A_601 = arith.constant 1 : i32
        %add3A_602 = arith.addi %mul3A_600, %add3A_601 : i32
        %jit3A_603 = arith.constant 64 : i32
        %eq3A_604 = arith.constant 0 : i32
        %eq3A_605 = arith.cmpi eq, %jit3A_603, %eq3A_604 : i32
        %jit3A_606 = arith.constant 1 : i32
        %select_n3A_607 = arith.select %eq3A_605, %jit3A_606, %jit3A_603 : i32
        %rem3A_608 = arith.remsi %add3A_241, %select_n3A_607 : i32
        %ne3A_609 = arith.constant 0 : i32
        %ne3A_610 = arith.cmpi ne, %rem3A_608, %ne3A_609 : i32
        %lt3A_611 = arith.constant 0 : i32
        %lt3A_612 = arith.cmpi slt, %rem3A_608, %lt3A_611 : i32
        %lt3A_613 = arith.constant 0 : i32
        %lt3A_614 = arith.cmpi slt, %select_n3A_607, %lt3A_613 : i32
        %ne3A_615 = arith.xori %lt3A_612, %lt3A_614 : i1
        %and3A_616 = arith.andi %ne3A_615, %ne3A_610 : i1
        %add3A_617 = arith.addi %rem3A_608, %select_n3A_607 : i32
        %select_n3A_618 = arith.select %and3A_616, %add3A_617, %rem3A_608 : i32
        %jit3A_619 = arith.constant 64 : i32
        %div3A_620 = arith.divsi %add3A_250, %jit3A_619 : i32
        %sign3A_621 = arith.constant 0 : i32
        %sign3A_622 = arith.cmpi sgt, %add3A_250, %sign3A_621 : i32
        %sign3A_623 = arith.extui %sign3A_622 : i1 to i32
        %sign3A_624 = arith.constant 0 : i32
        %sign3A_625 = arith.cmpi slt, %add3A_250, %sign3A_624 : i32
        %sign3A_626 = arith.extui %sign3A_625 : i1 to i32
        %sign3A_627 = arith.subi %sign3A_623, %sign3A_626 : i32
        %sign3A_628 = arith.constant 0 : i32
        %sign3A_629 = arith.cmpi sgt, %jit3A_619, %sign3A_628 : i32
        %sign3A_630 = arith.extui %sign3A_629 : i1 to i32
        %sign3A_631 = arith.constant 0 : i32
        %sign3A_632 = arith.cmpi slt, %jit3A_619, %sign3A_631 : i32
        %sign3A_633 = arith.extui %sign3A_632 : i1 to i32
        %sign3A_634 = arith.subi %sign3A_630, %sign3A_633 : i32
        %ne3A_635 = arith.cmpi ne, %sign3A_627, %sign3A_634 : i32
        %rem3A_636 = arith.remsi %add3A_250, %jit3A_619 : i32
        %ne3A_637 = arith.constant 0 : i32
        %ne3A_638 = arith.cmpi ne, %rem3A_636, %ne3A_637 : i32
        %and3A_639 = arith.andi %ne3A_635, %ne3A_638 : i1
        %sub3A_640 = arith.constant 1 : i32
        %sub3A_641 = arith.subi %div3A_620, %sub3A_640 : i32
        %select_n3A_642 = arith.select %and3A_639, %sub3A_641, %div3A_620 : i32
        %mul3A_643 = arith.constant 2 : i32
        %mul3A_644 = arith.muli %mul3A_643, %select_n3A_642 : i32
        %add3A_645 = arith.constant 1 : i32
        %add3A_646 = arith.addi %mul3A_644, %add3A_645 : i32
        %jit3A_647 = arith.constant 64 : i32
        %eq3A_648 = arith.constant 0 : i32
        %eq3A_649 = arith.cmpi eq, %jit3A_647, %eq3A_648 : i32
        %jit3A_650 = arith.constant 1 : i32
        %select_n3A_651 = arith.select %eq3A_649, %jit3A_650, %jit3A_647 : i32
        %rem3A_652 = arith.remsi %add3A_250, %select_n3A_651 : i32
        %ne3A_653 = arith.constant 0 : i32
        %ne3A_654 = arith.cmpi ne, %rem3A_652, %ne3A_653 : i32
        %lt3A_655 = arith.constant 0 : i32
        %lt3A_656 = arith.cmpi slt, %rem3A_652, %lt3A_655 : i32
        %lt3A_657 = arith.constant 0 : i32
        %lt3A_658 = arith.cmpi slt, %select_n3A_651, %lt3A_657 : i32
        %ne3A_659 = arith.xori %lt3A_656, %lt3A_658 : i1
        %and3A_660 = arith.andi %ne3A_659, %ne3A_654 : i1
        %add3A_661 = arith.addi %rem3A_652, %select_n3A_651 : i32
        %select_n3A_662 = arith.select %and3A_660, %add3A_661, %rem3A_652 : i32
        %ne3A_663 = arith.cmpi ne, %add3A_602, %add3A_646 : i32
        %ne3A_664 = arith.cmpi ne, %select_n3A_618, %select_n3A_662 : i32
        %or3A_665 = arith.constant false
        %or3A_666 = arith.ori %or3A_665, %ne3A_663 : i1
        %or3A_667 = arith.ori %or3A_666, %ne3A_664 : i1
        %or3A_668 = arith.ori %or3A_667, %eq3A_238 : i1
        %convert_element_type3A_669 = arith.extui %or3A_668 : i1 to i32
        %cond3A_670 = arith.constant 0 : i32
        %cond3A_671 = arith.cmpi ne, %convert_element_type3A_669, %cond3A_670 : i32
        scf.if %cond3A_671 {
          %jit3A_1721 = arith.constant 64 : i32
          "tpu.trace_start"() <{level = 10 : i32, message = "ep_wait_in"}> : () -> ()
          %div3A_1722 = arith.divsi %add3A_241, %jit3A_1721 : i32
          %sign3A_1723 = arith.constant 0 : i32
          %sign3A_1724 = arith.cmpi sgt, %add3A_241, %sign3A_1723 : i32
          %sign3A_1725 = arith.extui %sign3A_1724 : i1 to i32
          %sign3A_1726 = arith.constant 0 : i32
          %sign3A_1727 = arith.cmpi slt, %add3A_241, %sign3A_1726 : i32
          %sign3A_1728 = arith.extui %sign3A_1727 : i1 to i32
          %sign3A_1729 = arith.subi %sign3A_1725, %sign3A_1728 : i32
          %sign3A_1730 = arith.constant 0 : i32
          %sign3A_1731 = arith.cmpi sgt, %jit3A_1721, %sign3A_1730 : i32
          %sign3A_1732 = arith.extui %sign3A_1731 : i1 to i32
          %sign3A_1733 = arith.constant 0 : i32
          %sign3A_1734 = arith.cmpi slt, %jit3A_1721, %sign3A_1733 : i32
          %sign3A_1735 = arith.extui %sign3A_1734 : i1 to i32
          %sign3A_1736 = arith.subi %sign3A_1732, %sign3A_1735 : i32
          %ne3A_1737 = arith.cmpi ne, %sign3A_1729, %sign3A_1736 : i32
          %rem3A_1738 = arith.remsi %add3A_241, %jit3A_1721 : i32
          %ne3A_1739 = arith.constant 0 : i32
          %ne3A_1740 = arith.cmpi ne, %rem3A_1738, %ne3A_1739 : i32
          %and3A_1741 = arith.andi %ne3A_1737, %ne3A_1740 : i1
          %sub3A_1742 = arith.constant 1 : i32
          %sub3A_1743 = arith.subi %div3A_1722, %sub3A_1742 : i32
          %select_n3A_1744 = arith.select %and3A_1741, %sub3A_1743, %div3A_1722 : i32
          %mul3A_1745 = arith.constant 2 : i32
          %mul3A_1746 = arith.muli %mul3A_1745, %select_n3A_1744 : i32
          %add3A_1747 = arith.constant 1 : i32
          %add3A_1748 = arith.addi %mul3A_1746, %add3A_1747 : i32
          %jit3A_1749 = arith.constant 64 : i32
          %eq3A_1750 = arith.constant 0 : i32
          %eq3A_1751 = arith.cmpi eq, %jit3A_1749, %eq3A_1750 : i32
          %jit3A_1752 = arith.constant 1 : i32
          %select_n3A_1753 = arith.select %eq3A_1751, %jit3A_1752, %jit3A_1749 : i32
          %rem3A_1754 = arith.remsi %add3A_241, %select_n3A_1753 : i32
          %ne3A_1755 = arith.constant 0 : i32
          %ne3A_1756 = arith.cmpi ne, %rem3A_1754, %ne3A_1755 : i32
          %lt3A_1757 = arith.constant 0 : i32
          %lt3A_1758 = arith.cmpi slt, %rem3A_1754, %lt3A_1757 : i32
          %lt3A_1759 = arith.constant 0 : i32
          %lt3A_1760 = arith.cmpi slt, %select_n3A_1753, %lt3A_1759 : i32
          %ne3A_1761 = arith.xori %lt3A_1758, %lt3A_1760 : i1
          %and3A_1762 = arith.andi %ne3A_1761, %ne3A_1756 : i1
          %add3A_1763 = arith.addi %rem3A_1754, %select_n3A_1753 : i32
          %select_n3A_1764 = arith.select %and3A_1762, %add3A_1763, %rem3A_1754 : i32
          %mul3A_1765 = arith.constant 1 : i32
          %mul3A_1766 = arith.muli %mul3A_1765, %add3A_1748 : i32
          %mul3A_1767 = arith.constant 256 : i32
          %mul3A_1768 = arith.muli %mul3A_1767, %select_n3A_1764 : i32
          %rem3A_1769 = arith.constant 2 : i32
          %rem3A_1770 = arith.remui %scan3A_233, %rem3A_1769 : i32
          %dma_wait3A_1771 = arith.constant 0 : i32
          %dma_wait3A_1772 = arith.constant 0 : i32
          %dma_wait3A_1773 = tpu.memref_slice %run_scoped3A_8[%rem3A_1770, %dma_wait3A_1771, %dma_wait3A_1772] : memref<2x1x256xi32, #tpu.memory_space<vmem>> -> memref<1x1x256xi32, #tpu.memory_space<vmem>>
          %dma_wait3A_1774 = tpu.memref_squeeze %dma_wait3A_1773 : memref<1x1x256xi32, #tpu.memory_space<vmem>> -> memref<1x256xi32, #tpu.memory_space<vmem>>
          %dma_wait3A_1775 = tpu.memref_slice %arg3[%mul3A_1766, %mul3A_1768] : memref<50x16384xi32, #tpu.memory_space<hbm>> -> memref<1x256xi32, #tpu.memory_space<hbm>>
          %dma_wait3A_1776 = tpu.memref_slice %run_scoped3A_9[%rem3A_1770] : memref<2x!tpu.dma_semaphore, #tpu.memory_space<semaphore_mem>> -> memref<1x!tpu.dma_semaphore, #tpu.memory_space<semaphore_mem>>
          %dma_wait3A_1777 = tpu.memref_squeeze %dma_wait3A_1776 : memref<1x!tpu.dma_semaphore, #tpu.memory_space<semaphore_mem>> -> memref<!tpu.dma_semaphore, #tpu.memory_space<semaphore_mem>>
          %dma_wait3A_1778 = arith.constant 0 : i32
          %dma_wait3A_1779 = arith.constant 0 : i32
          %dma_wait3A_1780 = tpu.memref_slice %run_scoped3A_8[%rem3A_1770, %dma_wait3A_1778, %dma_wait3A_1779] : memref<2x1x256xi32, #tpu.memory_space<vmem>> -> memref<1x1x256xi32, #tpu.memory_space<vmem>>
          %dma_wait3A_1781 = tpu.memref_squeeze %dma_wait3A_1780 : memref<1x1x256xi32, #tpu.memory_space<vmem>> -> memref<1x256xi32, #tpu.memory_space<vmem>>
          %dma_wait3A_1782 = tpu.memref_slice %arg3[%mul3A_1766, %mul3A_1768] : memref<50x16384xi32, #tpu.memory_space<hbm>> -> memref<1x256xi32, #tpu.memory_space<hbm>>
          tpu.wait_dma2 semaphore(%dma_wait3A_1777 : memref<!tpu.dma_semaphore, #tpu.memory_space<semaphore_mem>>) src(%dma_wait3A_1782 : memref<1x256xi32, #tpu.memory_space<hbm>>) dst(%dma_wait3A_1781 : memref<1x256xi32, #tpu.memory_space<vmem>>)
          "tpu.trace_stop"() : () -> ()
        } else {
        }
        %ne3A_672 = arith.cmpi ne, %add3A_241, %add3A_250 : i32
        %or3A_673 = arith.constant false
        %or3A_674 = arith.ori %or3A_673, %ne3A_672 : i1
        %or3A_675 = arith.constant false
        %or3A_676 = arith.ori %or3A_674, %or3A_675 : i1
        %or3A_677 = arith.ori %or3A_676, %eq3A_238 : i1
        %convert_element_type3A_678 = arith.extui %or3A_677 : i1 to i32
        %cond3A_679 = arith.constant 0 : i32
        %cond3A_680 = arith.cmpi ne, %convert_element_type3A_678, %cond3A_679 : i32
        scf.if %cond3A_680 {
        } else {
        }
        %rem3A_681 = arith.constant 2 : i32
        %rem3A_682 = arith.remui %scan3A_231, %rem3A_681 : i32
        %rem3A_683 = arith.constant 2 : i32
        %rem3A_684 = arith.remui %scan3A_233, %rem3A_683 : i32
        %rem3A_685 = arith.constant 2 : i32
        %rem3A_686 = arith.remui %scan3A_234, %rem3A_685 : i32
        "tpu.trace_start"() <{level = 10 : i32, message = "ep_run_kernel"}> : () -> ()
        %iota3A = tpu.iota {dimensions = array<i32: 0>} : vector<16xi32>
        %mul3A_687 = arith.constant 2 : i32
        %mul3A_688 = vector.broadcast %mul3A_687 : i32 to vector<16xi32>
        %mul3A_689 = arith.muli %iota3A, %mul3A_688 : vector<16xi32>
        %add3A_690 = arith.constant 0 : i32
        %add3A_691 = vector.broadcast %add3A_690 : i32 to vector<16xi32>
        %add3A_692 = arith.addi %mul3A_689, %add3A_691 : vector<16xi32>
        %get3A = arith.constant 0 : i32
        %get3A_693 = arith.constant 0 : i32
        %get3A_694 = arith.constant 0 : i32
        %get3A_695 = tpu.memref_slice %run_scoped3A[%rem3A_682, %get3A_693, %get3A_694] : memref<2x1x256xi32, #tpu.memory_space<vmem>> -> memref<1x1x256xi32, #tpu.memory_space<vmem>>
        %get3A_696 = tpu.memref_squeeze %get3A_695 : memref<1x1x256xi32, #tpu.memory_space<vmem>> -> memref<1x256xi32, #tpu.memory_space<vmem>>
        %get3A_697 = arith.index_cast %get3A : i32 to index
        %get3A_698 = arith.constant 0 : index
        %get3A_699 = tpu.vector_load %get3A_696[%get3A_697, %get3A_698] {strides = array<i32>} : memref<1x256xi32, #tpu.memory_space<vmem>>, vector<16xi32>,
        tpu.vector_store_idx %arg5[%add3A_692], %get3A_699 : memref<512xi32, #tpu.memory_space<vmem>>[vector<16xi32>], vector<16xi32>,
        %add3A_700 = arith.constant 1 : i32
        %add3A_701 = vector.broadcast %add3A_700 : i32 to vector<16xi32>
        %add3A_702 = arith.addi %add3A_692, %add3A_701 : vector<16xi32>
        %get3A_703 = arith.constant 0 : i32
        %get3A_704 = arith.constant 0 : i32
        %get3A_705 = arith.constant 0 : i32
        %get3A_706 = tpu.memref_slice %run_scoped3A_8[%rem3A_684, %get3A_704, %get3A_705] : memref<2x1x256xi32, #tpu.memory_space<vmem>> -> memref<1x1x256xi32, #tpu.memory_space<vmem>>
        %get3A_707 = tpu.memref_squeeze %get3A_706 : memref<1x1x256xi32, #tpu.memory_space<vmem>> -> memref<1x256xi32, #tpu.memory_space<vmem>>
        %get3A_708 = arith.index_cast %get3A_703 : i32 to index
        %get3A_709 = arith.constant 0 : index
        %get3A_710 = tpu.vector_load %get3A_707[%get3A_708, %get3A_709] {strides = array<i32>} : memref<1x256xi32, #tpu.memory_space<vmem>>, vector<16xi32>,
        tpu.vector_store_idx %arg5[%add3A_702], %get3A_710 : memref<512xi32, #tpu.memory_space<vmem>>[vector<16xi32>], vector<16xi32>,
        %iota3A_711 = tpu.iota {dimensions = array<i32: 0>} : vector<16xi32>
        %mul3A_712 = arith.constant 2 : i32
        %mul3A_713 = vector.broadcast %mul3A_712 : i32 to vector<16xi32>
        %mul3A_714 = arith.muli %iota3A_711, %mul3A_713 : vector<16xi32>
        %add3A_715 = arith.constant 32 : i32
        %add3A_716 = vector.broadcast %add3A_715 : i32 to vector<16xi32>
        %add3A_717 = arith.addi %mul3A_714, %add3A_716 : vector<16xi32>
        %get3A_718 = arith.constant 0 : i32
        %get3A_719 = arith.constant 0 : i32
        %get3A_720 = arith.constant 0 : i32
        %get3A_721 = tpu.memref_slice %run_scoped3A[%rem3A_682, %get3A_719, %get3A_720] : memref<2x1x256xi32, #tpu.memory_space<vmem>> -> memref<1x1x256xi32, #tpu.memory_space<vmem>>
        %get3A_722 = tpu.memref_squeeze %get3A_721 : memref<1x1x256xi32, #tpu.memory_space<vmem>> -> memref<1x256xi32, #tpu.memory_space<vmem>>
        %get3A_723 = arith.index_cast %get3A_718 : i32 to index
        %get3A_724 = arith.constant 16 : index
        %get3A_725 = tpu.vector_load %get3A_722[%get3A_723, %get3A_724] {strides = array<i32>} : memref<1x256xi32, #tpu.memory_space<vmem>>, vector<16xi32>,
        tpu.vector_store_idx %arg5[%add3A_717], %get3A_725 : memref<512xi32, #tpu.memory_space<vmem>>[vector<16xi32>], vector<16xi32>,
        %add3A_726 = arith.constant 1 : i32
        %add3A_727 = vector.broadcast %add3A_726 : i32 to vector<16xi32>
        %add3A_728 = arith.addi %add3A_717, %add3A_727 : vector<16xi32>
        %get3A_729 = arith.constant 0 : i32
        %get3A_730 = arith.constant 0 : i32
        %get3A_731 = arith.constant 0 : i32
        %get3A_732 = tpu.memref_slice %run_scoped3A_8[%rem3A_684, %get3A_730, %get3A_731] : memref<2x1x256xi32, #tpu.memory_space<vmem>> -> memref<1x1x256xi32, #tpu.memory_space<vmem>>
        %get3A_733 = tpu.memref_squeeze %get3A_732 : memref<1x1x256xi32, #tpu.memory_space<vmem>> -> memref<1x256xi32, #tpu.memory_space<vmem>>
        %get3A_734 = arith.index_cast %get3A_729 : i32 to index
        %get3A_735 = arith.constant 16 : index
        %get3A_736 = tpu.vector_load %get3A_733[%get3A_734, %get3A_735] {strides = array<i32>} : memref<1x256xi32, #tpu.memory_space<vmem>>, vector<16xi32>,
        tpu.vector_store_idx %arg5[%add3A_728], %get3A_736 : memref<512xi32, #tpu.memory_space<vmem>>[vector<16xi32>], vector<16xi32>,
        %iota3A_737 = tpu.iota {dimensions = array<i32: 0>} : vector<16xi32>
        %mul3A_738 = arith.constant 2 : i32
        %mul3A_739 = vector.broadcast %mul3A_738 : i32 to vector<16xi32>
        %mul3A_740 = arith.muli %iota3A_737, %mul3A_739 : vector<16xi32>
        %add3A_741 = arith.constant 64 : i32
        %add3A_742 = vector.broadcast %add3A_741 : i32 to vector<16xi32>
        %add3A_743 = arith.addi %mul3A_740, %add3A_742 : vector<16xi32>
        %get3A_744 = arith.constant 0 : i32
        %get3A_745 = arith.constant 0 : i32
        %get3A_746 = arith.constant 0 : i32
        %get3A_747 = tpu.memref_slice %run_scoped3A[%rem3A_682, %get3A_745, %get3A_746] : memref<2x1x256xi32, #tpu.memory_space<vmem>> -> memref<1x1x256xi32, #tpu.memory_space<vmem>>
        %get3A_748 = tpu.memref_squeeze %get3A_747 : memref<1x1x256xi32, #tpu.memory_space<vmem>> -> memref<1x256xi32, #tpu.memory_space<vmem>>
        %get3A_749 = arith.index_cast %get3A_744 : i32 to index
        %get3A_750 = arith.constant 32 : index
        %get3A_751 = tpu.vector_load %get3A_748[%get3A_749, %get3A_750] {strides = array<i32>} : memref<1x256xi32, #tpu.memory_space<vmem>>, vector<16xi32>,
        tpu.vector_store_idx %arg5[%add3A_743], %get3A_751 : memref<512xi32, #tpu.memory_space<vmem>>[vector<16xi32>], vector<16xi32>,
        %add3A_752 = arith.constant 1 : i32
        %add3A_753 = vector.broadcast %add3A_752 : i32 to vector<16xi32>
        %add3A_754 = arith.addi %add3A_743, %add3A_753 : vector<16xi32>
        %get3A_755 = arith.constant 0 : i32
        %get3A_756 = arith.constant 0 : i32
        %get3A_757 = arith.constant 0 : i32
        %get3A_758 = tpu.memref_slice %run_scoped3A_8[%rem3A_684, %get3A_756, %get3A_757] : memref<2x1x256xi32, #tpu.memory_space<vmem>> -> memref<1x1x256xi32, #tpu.memory_space<vmem>>
        %get3A_759 = tpu.memref_squeeze %get3A_758 : memref<1x1x256xi32, #tpu.memory_space<vmem>> -> memref<1x256xi32, #tpu.memory_space<vmem>>
        %get3A_760 = arith.index_cast %get3A_755 : i32 to index
        %get3A_761 = arith.constant 32 : index
        %get3A_762 = tpu.vector_load %get3A_759[%get3A_760, %get3A_761] {strides = array<i32>} : memref<1x256xi32, #tpu.memory_space<vmem>>, vector<16xi32>,
        tpu.vector_store_idx %arg5[%add3A_754], %get3A_762 : memref<512xi32, #tpu.memory_space<vmem>>[vector<16xi32>], vector<16xi32>,
        %iota3A_763 = tpu.iota {dimensions = array<i32: 0>} : vector<16xi32>
        %mul3A_764 = arith.constant 2 : i32
        %mul3A_765 = vector.broadcast %mul3A_764 : i32 to vector<16xi32>
        %mul3A_766 = arith.muli %iota3A_763, %mul3A_765 : vector<16xi32>
        %add3A_767 = arith.constant 96 : i32
        %add3A_768 = vector.broadcast %add3A_767 : i32 to vector<16xi32>
        %add3A_769 = arith.addi %mul3A_766, %add3A_768 : vector<16xi32>
        %get3A_770 = arith.constant 0 : i32
        %get3A_771 = arith.constant 0 : i32
        %get3A_772 = arith.constant 0 : i32
        %get3A_773 = tpu.memref_slice %run_scoped3A[%rem3A_682, %get3A_771, %get3A_772] : memref<2x1x256xi32, #tpu.memory_space<vmem>> -> memref<1x1x256xi32, #tpu.memory_space<vmem>>
        %get3A_774 = tpu.memref_squeeze %get3A_773 : memref<1x1x256xi32, #tpu.memory_space<vmem>> -> memref<1x256xi32, #tpu.memory_space<vmem>>
        %get3A_775 = arith.index_cast %get3A_770 : i32 to index
        %get3A_776 = arith.constant 48 : index
        %get3A_777 = tpu.vector_load %get3A_774[%get3A_775, %get3A_776] {strides = array<i32>} : memref<1x256xi32, #tpu.memory_space<vmem>>, vector<16xi32>,
        tpu.vector_store_idx %arg5[%add3A_769], %get3A_777 : memref<512xi32, #tpu.memory_space<vmem>>[vector<16xi32>], vector<16xi32>,
        %add3A_778 = arith.constant 1 : i32
        %add3A_779 = vector.broadcast %add3A_778 : i32 to vector<16xi32>
        %add3A_780 = arith.addi %add3A_769, %add3A_779 : vector<16xi32>
        %get3A_781 = arith.constant 0 : i32
        %get3A_782 = arith.constant 0 : i32
        %get3A_783 = arith.constant 0 : i32
        %get3A_784 = tpu.memref_slice %run_scoped3A_8[%rem3A_684, %get3A_782, %get3A_783] : memref<2x1x256xi32, #tpu.memory_space<vmem>> -> memref<1x1x256xi32, #tpu.memory_space<vmem>>
        %get3A_785 = tpu.memref_squeeze %get3A_784 : memref<1x1x256xi32, #tpu.memory_space<vmem>> -> memref<1x256xi32, #tpu.memory_space<vmem>>
        %get3A_786 = arith.index_cast %get3A_781 : i32 to index
        %get3A_787 = arith.constant 48 : index
        %get3A_788 = tpu.vector_load %get3A_785[%get3A_786, %get3A_787] {strides = array<i32>} : memref<1x256xi32, #tpu.memory_space<vmem>>, vector<16xi32>,
        tpu.vector_store_idx %arg5[%add3A_780], %get3A_788 : memref<512xi32, #tpu.memory_space<vmem>>[vector<16xi32>], vector<16xi32>,
        %iota3A_789 = tpu.iota {dimensions = array<i32: 0>} : vector<16xi32>
        %mul3A_790 = arith.constant 2 : i32
        %mul3A_791 = vector.broadcast %mul3A_790 : i32 to vector<16xi32>
        %mul3A_792 = arith.muli %iota3A_789, %mul3A_791 : vector<16xi32>
        %add3A_793 = arith.constant 128 : i32
        %add3A_794 = vector.broadcast %add3A_793 : i32 to vector<16xi32>
        %add3A_795 = arith.addi %mul3A_792, %add3A_794 : vector<16xi32>
        %get3A_796 = arith.constant 0 : i32
        %get3A_797 = arith.constant 0 : i32
        %get3A_798 = arith.constant 0 : i32
        %get3A_799 = tpu.memref_slice %run_scoped3A[%rem3A_682, %get3A_797, %get3A_798] : memref<2x1x256xi32, #tpu.memory_space<vmem>> -> memref<1x1x256xi32, #tpu.memory_space<vmem>>
        %get3A_800 = tpu.memref_squeeze %get3A_799 : memref<1x1x256xi32, #tpu.memory_space<vmem>> -> memref<1x256xi32, #tpu.memory_space<vmem>>
        %get3A_801 = arith.index_cast %get3A_796 : i32 to index
        %get3A_802 = arith.constant 64 : index
        %get3A_803 = tpu.vector_load %get3A_800[%get3A_801, %get3A_802] {strides = array<i32>} : memref<1x256xi32, #tpu.memory_space<vmem>>, vector<16xi32>,
        tpu.vector_store_idx %arg5[%add3A_795], %get3A_803 : memref<512xi32, #tpu.memory_space<vmem>>[vector<16xi32>], vector<16xi32>,
        %add3A_804 = arith.constant 1 : i32
        %add3A_805 = vector.broadcast %add3A_804 : i32 to vector<16xi32>
        %add3A_806 = arith.addi %add3A_795, %add3A_805 : vector<16xi32>
        %get3A_807 = arith.constant 0 : i32
        %get3A_808 = arith.constant 0 : i32
        %get3A_809 = arith.constant 0 : i32
        %get3A_810 = tpu.memref_slice %run_scoped3A_8[%rem3A_684, %get3A_808, %get3A_809] : memref<2x1x256xi32, #tpu.memory_space<vmem>> -> memref<1x1x256xi32, #tpu.memory_space<vmem>>
        %get3A_811 = tpu.memref_squeeze %get3A_810 : memref<1x1x256xi32, #tpu.memory_space<vmem>> -> memref<1x256xi32, #tpu.memory_space<vmem>>
        %get3A_812 = arith.index_cast %get3A_807 : i32 to index
        %get3A_813 = arith.constant 64 : index
        %get3A_814 = tpu.vector_load %get3A_811[%get3A_812, %get3A_813] {strides = array<i32>} : memref<1x256xi32, #tpu.memory_space<vmem>>, vector<16xi32>,
        tpu.vector_store_idx %arg5[%add3A_806], %get3A_814 : memref<512xi32, #tpu.memory_space<vmem>>[vector<16xi32>], vector<16xi32>,
        %iota3A_815 = tpu.iota {dimensions = array<i32: 0>} : vector<16xi32>
        %mul3A_816 = arith.constant 2 : i32
        %mul3A_817 = vector.broadcast %mul3A_816 : i32 to vector<16xi32>
        %mul3A_818 = arith.muli %iota3A_815, %mul3A_817 : vector<16xi32>
        %add3A_819 = arith.constant 160 : i32
        %add3A_820 = vector.broadcast %add3A_819 : i32 to vector<16xi32>
        %add3A_821 = arith.addi %mul3A_818, %add3A_820 : vector<16xi32>
        %get3A_822 = arith.constant 0 : i32
        %get3A_823 = arith.constant 0 : i32
        %get3A_824 = arith.constant 0 : i32
        %get3A_825 = tpu.memref_slice %run_scoped3A[%rem3A_682, %get3A_823, %get3A_824] : memref<2x1x256xi32, #tpu.memory_space<vmem>> -> memref<1x1x256xi32, #tpu.memory_space<vmem>>
        %get3A_826 = tpu.memref_squeeze %get3A_825 : memref<1x1x256xi32, #tpu.memory_space<vmem>> -> memref<1x256xi32, #tpu.memory_space<vmem>>
        %get3A_827 = arith.index_cast %get3A_822 : i32 to index
        %get3A_828 = arith.constant 80 : index
        %get3A_829 = tpu.vector_load %get3A_826[%get3A_827, %get3A_828] {strides = array<i32>} : memref<1x256xi32, #tpu.memory_space<vmem>>, vector<16xi32>,
        tpu.vector_store_idx %arg5[%add3A_821], %get3A_829 : memref<512xi32, #tpu.memory_space<vmem>>[vector<16xi32>], vector<16xi32>,
        %add3A_830 = arith.constant 1 : i32
        %add3A_831 = vector.broadcast %add3A_830 : i32 to vector<16xi32>
        %add3A_832 = arith.addi %add3A_821, %add3A_831 : vector<16xi32>
        %get3A_833 = arith.constant 0 : i32
        %get3A_834 = arith.constant 0 : i32
        %get3A_835 = arith.constant 0 : i32
        %get3A_836 = tpu.memref_slice %run_scoped3A_8[%rem3A_684, %get3A_834, %get3A_835] : memref<2x1x256xi32, #tpu.memory_space<vmem>> -> memref<1x1x256xi32, #tpu.memory_space<vmem>>
        %get3A_837 = tpu.memref_squeeze %get3A_836 : memref<1x1x256xi32, #tpu.memory_space<vmem>> -> memref<1x256xi32, #tpu.memory_space<vmem>>
        %get3A_838 = arith.index_cast %get3A_833 : i32 to index
        %get3A_839 = arith.constant 80 : index
        %get3A_840 = tpu.vector_load %get3A_837[%get3A_838, %get3A_839] {strides = array<i32>} : memref<1x256xi32, #tpu.memory_space<vmem>>, vector<16xi32>,
        tpu.vector_store_idx %arg5[%add3A_832], %get3A_840 : memref<512xi32, #tpu.memory_space<vmem>>[vector<16xi32>], vector<16xi32>,
        %iota3A_841 = tpu.iota {dimensions = array<i32: 0>} : vector<16xi32>
        %mul3A_842 = arith.constant 2 : i32
        %mul3A_843 = vector.broadcast %mul3A_842 : i32 to vector<16xi32>
        %mul3A_844 = arith.muli %iota3A_841, %mul3A_843 : vector<16xi32>
        %add3A_845 = arith.constant 192 : i32
        %add3A_846 = vector.broadcast %add3A_845 : i32 to vector<16xi32>
        %add3A_847 = arith.addi %mul3A_844, %add3A_846 : vector<16xi32>
        %get3A_848 = arith.constant 0 : i32
        %get3A_849 = arith.constant 0 : i32
        %get3A_850 = arith.constant 0 : i32
        %get3A_851 = tpu.memref_slice %run_scoped3A[%rem3A_682, %get3A_849, %get3A_850] : memref<2x1x256xi32, #tpu.memory_space<vmem>> -> memref<1x1x256xi32, #tpu.memory_space<vmem>>
        %get3A_852 = tpu.memref_squeeze %get3A_851 : memref<1x1x256xi32, #tpu.memory_space<vmem>> -> memref<1x256xi32, #tpu.memory_space<vmem>>
        %get3A_853 = arith.index_cast %get3A_848 : i32 to index
        %get3A_854 = arith.constant 96 : index
        %get3A_855 = tpu.vector_load %get3A_852[%get3A_853, %get3A_854] {strides = array<i32>} : memref<1x256xi32, #tpu.memory_space<vmem>>, vector<16xi32>,
        tpu.vector_store_idx %arg5[%add3A_847], %get3A_855 : memref<512xi32, #tpu.memory_space<vmem>>[vector<16xi32>], vector<16xi32>,
        %add3A_856 = arith.constant 1 : i32
        %add3A_857 = vector.broadcast %add3A_856 : i32 to vector<16xi32>
        %add3A_858 = arith.addi %add3A_847, %add3A_857 : vector<16xi32>
        %get3A_859 = arith.constant 0 : i32
        %get3A_860 = arith.constant 0 : i32
        %get3A_861 = arith.constant 0 : i32
        %get3A_862 = tpu.memref_slice %run_scoped3A_8[%rem3A_684, %get3A_860, %get3A_861] : memref<2x1x256xi32, #tpu.memory_space<vmem>> -> memref<1x1x256xi32, #tpu.memory_space<vmem>>
        %get3A_863 = tpu.memref_squeeze %get3A_862 : memref<1x1x256xi32, #tpu.memory_space<vmem>> -> memref<1x256xi32, #tpu.memory_space<vmem>>
        %get3A_864 = arith.index_cast %get3A_859 : i32 to index
        %get3A_865 = arith.constant 96 : index
        %get3A_866 = tpu.vector_load %get3A_863[%get3A_864, %get3A_865] {strides = array<i32>} : memref<1x256xi32, #tpu.memory_space<vmem>>, vector<16xi32>,
        tpu.vector_store_idx %arg5[%add3A_858], %get3A_866 : memref<512xi32, #tpu.memory_space<vmem>>[vector<16xi32>], vector<16xi32>,
        %iota3A_867 = tpu.iota {dimensions = array<i32: 0>} : vector<16xi32>
        %mul3A_868 = arith.constant 2 : i32
        %mul3A_869 = vector.broadcast %mul3A_868 : i32 to vector<16xi32>
        %mul3A_870 = arith.muli %iota3A_867, %mul3A_869 : vector<16xi32>
        %add3A_871 = arith.constant 224 : i32
        %add3A_872 = vector.broadcast %add3A_871 : i32 to vector<16xi32>
        %add3A_873 = arith.addi %mul3A_870, %add3A_872 : vector<16xi32>
        %get3A_874 = arith.constant 0 : i32
        %get3A_875 = arith.constant 0 : i32
        %get3A_876 = arith.constant 0 : i32
        %get3A_877 = tpu.memref_slice %run_scoped3A[%rem3A_682, %get3A_875, %get3A_876] : memref<2x1x256xi32, #tpu.memory_space<vmem>> -> memref<1x1x256xi32, #tpu.memory_space<vmem>>
        %get3A_878 = tpu.memref_squeeze %get3A_877 : memref<1x1x256xi32, #tpu.memory_space<vmem>> -> memref<1x256xi32, #tpu.memory_space<vmem>>
        %get3A_879 = arith.index_cast %get3A_874 : i32 to index
        %get3A_880 = arith.constant 112 : index
        %get3A_881 = tpu.vector_load %get3A_878[%get3A_879, %get3A_880] {strides = array<i32>} : memref<1x256xi32, #tpu.memory_space<vmem>>, vector<16xi32>,
        tpu.vector_store_idx %arg5[%add3A_873], %get3A_881 : memref<512xi32, #tpu.memory_space<vmem>>[vector<16xi32>], vector<16xi32>,
        %add3A_882 = arith.constant 1 : i32
        %add3A_883 = vector.broadcast %add3A_882 : i32 to vector<16xi32>
        %add3A_884 = arith.addi %add3A_873, %add3A_883 : vector<16xi32>
        %get3A_885 = arith.constant 0 : i32
        %get3A_886 = arith.constant 0 : i32
        %get3A_887 = arith.constant 0 : i32
        %get3A_888 = tpu.memref_slice %run_scoped3A_8[%rem3A_684, %get3A_886, %get3A_887] : memref<2x1x256xi32, #tpu.memory_space<vmem>> -> memref<1x1x256xi32, #tpu.memory_space<vmem>>
        %get3A_889 = tpu.memref_squeeze %get3A_888 : memref<1x1x256xi32, #tpu.memory_space<vmem>> -> memref<1x256xi32, #tpu.memory_space<vmem>>
        %get3A_890 = arith.index_cast %get3A_885 : i32 to index
        %get3A_891 = arith.constant 112 : index
        %get3A_892 = tpu.vector_load %get3A_889[%get3A_890, %get3A_891] {strides = array<i32>} : memref<1x256xi32, #tpu.memory_space<vmem>>, vector<16xi32>,
        tpu.vector_store_idx %arg5[%add3A_884], %get3A_892 : memref<512xi32, #tpu.memory_space<vmem>>[vector<16xi32>], vector<16xi32>,
        %iota3A_893 = tpu.iota {dimensions = array<i32: 0>} : vector<16xi32>
        %mul3A_894 = arith.constant 2 : i32
        %mul3A_895 = vector.broadcast %mul3A_894 : i32 to vector<16xi32>
        %mul3A_896 = arith.muli %iota3A_893, %mul3A_895 : vector<16xi32>
        %add3A_897 = arith.constant 256 : i32
        %add3A_898 = vector.broadcast %add3A_897 : i32 to vector<16xi32>
        %add3A_899 = arith.addi %mul3A_896, %add3A_898 : vector<16xi32>
        %get3A_900 = arith.constant 0 : i32
        %get3A_901 = arith.constant 0 : i32
        %get3A_902 = arith.constant 0 : i32
        %get3A_903 = tpu.memref_slice %run_scoped3A[%rem3A_682, %get3A_901, %get3A_902] : memref<2x1x256xi32, #tpu.memory_space<vmem>> -> memref<1x1x256xi32, #tpu.memory_space<vmem>>
        %get3A_904 = tpu.memref_squeeze %get3A_903 : memref<1x1x256xi32, #tpu.memory_space<vmem>> -> memref<1x256xi32, #tpu.memory_space<vmem>>
        %get3A_905 = arith.index_cast %get3A_900 : i32 to index
        %get3A_906 = arith.constant 128 : index
        %get3A_907 = tpu.vector_load %get3A_904[%get3A_905, %get3A_906] {strides = array<i32>} : memref<1x256xi32, #tpu.memory_space<vmem>>, vector<16xi32>,
        tpu.vector_store_idx %arg5[%add3A_899], %get3A_907 : memref<512xi32, #tpu.memory_space<vmem>>[vector<16xi32>], vector<16xi32>,
        %add3A_908 = arith.constant 1 : i32
        %add3A_909 = vector.broadcast %add3A_908 : i32 to vector<16xi32>
        %add3A_910 = arith.addi %add3A_899, %add3A_909 : vector<16xi32>
        %get3A_911 = arith.constant 0 : i32
        %get3A_912 = arith.constant 0 : i32
        %get3A_913 = arith.constant 0 : i32
        %get3A_914 = tpu.memref_slice %run_scoped3A_8[%rem3A_684, %get3A_912, %get3A_913] : memref<2x1x256xi32, #tpu.memory_space<vmem>> -> memref<1x1x256xi32, #tpu.memory_space<vmem>>
        %get3A_915 = tpu.memref_squeeze %get3A_914 : memref<1x1x256xi32, #tpu.memory_space<vmem>> -> memref<1x256xi32, #tpu.memory_space<vmem>>
        %get3A_916 = arith.index_cast %get3A_911 : i32 to index
        %get3A_917 = arith.constant 128 : index
        %get3A_918 = tpu.vector_load %get3A_915[%get3A_916, %get3A_917] {strides = array<i32>} : memref<1x256xi32, #tpu.memory_space<vmem>>, vector<16xi32>,
        tpu.vector_store_idx %arg5[%add3A_910], %get3A_918 : memref<512xi32, #tpu.memory_space<vmem>>[vector<16xi32>], vector<16xi32>,
        %iota3A_919 = tpu.iota {dimensions = array<i32: 0>} : vector<16xi32>
        %mul3A_920 = arith.constant 2 : i32
        %mul3A_921 = vector.broadcast %mul3A_920 : i32 to vector<16xi32>
        %mul3A_922 = arith.muli %iota3A_919, %mul3A_921 : vector<16xi32>
        %add3A_923 = arith.constant 288 : i32
        %add3A_924 = vector.broadcast %add3A_923 : i32 to vector<16xi32>
        %add3A_925 = arith.addi %mul3A_922, %add3A_924 : vector<16xi32>
        %get3A_926 = arith.constant 0 : i32
        %get3A_927 = arith.constant 0 : i32
        %get3A_928 = arith.constant 0 : i32
        %get3A_929 = tpu.memref_slice %run_scoped3A[%rem3A_682, %get3A_927, %get3A_928] : memref<2x1x256xi32, #tpu.memory_space<vmem>> -> memref<1x1x256xi32, #tpu.memory_space<vmem>>
        %get3A_930 = tpu.memref_squeeze %get3A_929 : memref<1x1x256xi32, #tpu.memory_space<vmem>> -> memref<1x256xi32, #tpu.memory_space<vmem>>
        %get3A_931 = arith.index_cast %get3A_926 : i32 to index
        %get3A_932 = arith.constant 144 : index
        %get3A_933 = tpu.vector_load %get3A_930[%get3A_931, %get3A_932] {strides = array<i32>} : memref<1x256xi32, #tpu.memory_space<vmem>>, vector<16xi32>,
        tpu.vector_store_idx %arg5[%add3A_925], %get3A_933 : memref<512xi32, #tpu.memory_space<vmem>>[vector<16xi32>], vector<16xi32>,
        %add3A_934 = arith.constant 1 : i32
        %add3A_935 = vector.broadcast %add3A_934 : i32 to vector<16xi32>
        %add3A_936 = arith.addi %add3A_925, %add3A_935 : vector<16xi32>
        %get3A_937 = arith.constant 0 : i32
        %get3A_938 = arith.constant 0 : i32
        %get3A_939 = arith.constant 0 : i32
        %get3A_940 = tpu.memref_slice %run_scoped3A_8[%rem3A_684, %get3A_938, %get3A_939] : memref<2x1x256xi32, #tpu.memory_space<vmem>> -> memref<1x1x256xi32, #tpu.memory_space<vmem>>
        %get3A_941 = tpu.memref_squeeze %get3A_940 : memref<1x1x256xi32, #tpu.memory_space<vmem>> -> memref<1x256xi32, #tpu.memory_space<vmem>>
        %get3A_942 = arith.index_cast %get3A_937 : i32 to index
        %get3A_943 = arith.constant 144 : index
        %get3A_944 = tpu.vector_load %get3A_941[%get3A_942, %get3A_943] {strides = array<i32>} : memref<1x256xi32, #tpu.memory_space<vmem>>, vector<16xi32>,
        tpu.vector_store_idx %arg5[%add3A_936], %get3A_944 : memref<512xi32, #tpu.memory_space<vmem>>[vector<16xi32>], vector<16xi32>,
        %iota3A_945 = tpu.iota {dimensions = array<i32: 0>} : vector<16xi32>
        %mul3A_946 = arith.constant 2 : i32
        %mul3A_947 = vector.broadcast %mul3A_946 : i32 to vector<16xi32>
        %mul3A_948 = arith.muli %iota3A_945, %mul3A_947 : vector<16xi32>
        %add3A_949 = arith.constant 320 : i32
        %add3A_950 = vector.broadcast %add3A_949 : i32 to vector<16xi32>
        %add3A_951 = arith.addi %mul3A_948, %add3A_950 : vector<16xi32>
        %get3A_952 = arith.constant 0 : i32
        %get3A_953 = arith.constant 0 : i32
        %get3A_954 = arith.constant 0 : i32
        %get3A_955 = tpu.memref_slice %run_scoped3A[%rem3A_682, %get3A_953, %get3A_954] : memref<2x1x256xi32, #tpu.memory_space<vmem>> -> memref<1x1x256xi32, #tpu.memory_space<vmem>>
        %get3A_956 = tpu.memref_squeeze %get3A_955 : memref<1x1x256xi32, #tpu.memory_space<vmem>> -> memref<1x256xi32, #tpu.memory_space<vmem>>
        %get3A_957 = arith.index_cast %get3A_952 : i32 to index
        %get3A_958 = arith.constant 160 : index
        %get3A_959 = tpu.vector_load %get3A_956[%get3A_957, %get3A_958] {strides = array<i32>} : memref<1x256xi32, #tpu.memory_space<vmem>>, vector<16xi32>,
        tpu.vector_store_idx %arg5[%add3A_951], %get3A_959 : memref<512xi32, #tpu.memory_space<vmem>>[vector<16xi32>], vector<16xi32>,
        %add3A_960 = arith.constant 1 : i32
        %add3A_961 = vector.broadcast %add3A_960 : i32 to vector<16xi32>
        %add3A_962 = arith.addi %add3A_951, %add3A_961 : vector<16xi32>
        %get3A_963 = arith.constant 0 : i32
        %get3A_964 = arith.constant 0 : i32
        %get3A_965 = arith.constant 0 : i32
        %get3A_966 = tpu.memref_slice %run_scoped3A_8[%rem3A_684, %get3A_964, %get3A_965] : memref<2x1x256xi32, #tpu.memory_space<vmem>> -> memref<1x1x256xi32, #tpu.memory_space<vmem>>
        %get3A_967 = tpu.memref_squeeze %get3A_966 : memref<1x1x256xi32, #tpu.memory_space<vmem>> -> memref<1x256xi32, #tpu.memory_space<vmem>>
        %get3A_968 = arith.index_cast %get3A_963 : i32 to index
        %get3A_969 = arith.constant 160 : index
        %get3A_970 = tpu.vector_load %get3A_967[%get3A_968, %get3A_969] {strides = array<i32>} : memref<1x256xi32, #tpu.memory_space<vmem>>, vector<16xi32>,
        tpu.vector_store_idx %arg5[%add3A_962], %get3A_970 : memref<512xi32, #tpu.memory_space<vmem>>[vector<16xi32>], vector<16xi32>,
        %iota3A_971 = tpu.iota {dimensions = array<i32: 0>} : vector<16xi32>
        %mul3A_972 = arith.constant 2 : i32
        %mul3A_973 = vector.broadcast %mul3A_972 : i32 to vector<16xi32>
        %mul3A_974 = arith.muli %iota3A_971, %mul3A_973 : vector<16xi32>
        %add3A_975 = arith.constant 352 : i32
        %add3A_976 = vector.broadcast %add3A_975 : i32 to vector<16xi32>
        %add3A_977 = arith.addi %mul3A_974, %add3A_976 : vector<16xi32>
        %get3A_978 = arith.constant 0 : i32
        %get3A_979 = arith.constant 0 : i32
        %get3A_980 = arith.constant 0 : i32
        %get3A_981 = tpu.memref_slice %run_scoped3A[%rem3A_682, %get3A_979, %get3A_980] : memref<2x1x256xi32, #tpu.memory_space<vmem>> -> memref<1x1x256xi32, #tpu.memory_space<vmem>>
        %get3A_982 = tpu.memref_squeeze %get3A_981 : memref<1x1x256xi32, #tpu.memory_space<vmem>> -> memref<1x256xi32, #tpu.memory_space<vmem>>
        %get3A_983 = arith.index_cast %get3A_978 : i32 to index
        %get3A_984 = arith.constant 176 : index
        %get3A_985 = tpu.vector_load %get3A_982[%get3A_983, %get3A_984] {strides = array<i32>} : memref<1x256xi32, #tpu.memory_space<vmem>>, vector<16xi32>,
        tpu.vector_store_idx %arg5[%add3A_977], %get3A_985 : memref<512xi32, #tpu.memory_space<vmem>>[vector<16xi32>], vector<16xi32>,
        %add3A_986 = arith.constant 1 : i32
        %add3A_987 = vector.broadcast %add3A_986 : i32 to vector<16xi32>
        %add3A_988 = arith.addi %add3A_977, %add3A_987 : vector<16xi32>
        %get3A_989 = arith.constant 0 : i32
        %get3A_990 = arith.constant 0 : i32
        %get3A_991 = arith.constant 0 : i32
        %get3A_992 = tpu.memref_slice %run_scoped3A_8[%rem3A_684, %get3A_990, %get3A_991] : memref<2x1x256xi32, #tpu.memory_space<vmem>> -> memref<1x1x256xi32, #tpu.memory_space<vmem>>
        %get3A_993 = tpu.memref_squeeze %get3A_992 : memref<1x1x256xi32, #tpu.memory_space<vmem>> -> memref<1x256xi32, #tpu.memory_space<vmem>>
        %get3A_994 = arith.index_cast %get3A_989 : i32 to index
        %get3A_995 = arith.constant 176 : index
        %get3A_996 = tpu.vector_load %get3A_993[%get3A_994, %get3A_995] {strides = array<i32>} : memref<1x256xi32, #tpu.memory_space<vmem>>, vector<16xi32>,
        tpu.vector_store_idx %arg5[%add3A_988], %get3A_996 : memref<512xi32, #tpu.memory_space<vmem>>[vector<16xi32>], vector<16xi32>,
        %iota3A_997 = tpu.iota {dimensions = array<i32: 0>} : vector<16xi32>
        %mul3A_998 = arith.constant 2 : i32
        %mul3A_999 = vector.broadcast %mul3A_998 : i32 to vector<16xi32>
        %mul3A_1000 = arith.muli %iota3A_997, %mul3A_999 : vector<16xi32>
        %add3A_1001 = arith.constant 384 : i32
        %add3A_1002 = vector.broadcast %add3A_1001 : i32 to vector<16xi32>
        %add3A_1003 = arith.addi %mul3A_1000, %add3A_1002 : vector<16xi32>
        %get3A_1004 = arith.constant 0 : i32
        %get3A_1005 = arith.constant 0 : i32
        %get3A_1006 = arith.constant 0 : i32
        %get3A_1007 = tpu.memref_slice %run_scoped3A[%rem3A_682, %get3A_1005, %get3A_1006] : memref<2x1x256xi32, #tpu.memory_space<vmem>> -> memref<1x1x256xi32, #tpu.memory_space<vmem>>
        %get3A_1008 = tpu.memref_squeeze %get3A_1007 : memref<1x1x256xi32, #tpu.memory_space<vmem>> -> memref<1x256xi32, #tpu.memory_space<vmem>>
        %get3A_1009 = arith.index_cast %get3A_1004 : i32 to index
        %get3A_1010 = arith.constant 192 : index
        %get3A_1011 = tpu.vector_load %get3A_1008[%get3A_1009, %get3A_1010] {strides = array<i32>} : memref<1x256xi32, #tpu.memory_space<vmem>>, vector<16xi32>,
        tpu.vector_store_idx %arg5[%add3A_1003], %get3A_1011 : memref<512xi32, #tpu.memory_space<vmem>>[vector<16xi32>], vector<16xi32>,
        %add3A_1012 = arith.constant 1 : i32
        %add3A_1013 = vector.broadcast %add3A_1012 : i32 to vector<16xi32>
        %add3A_1014 = arith.addi %add3A_1003, %add3A_1013 : vector<16xi32>
        %get3A_1015 = arith.constant 0 : i32
        %get3A_1016 = arith.constant 0 : i32
        %get3A_1017 = arith.constant 0 : i32
        %get3A_1018 = tpu.memref_slice %run_scoped3A_8[%rem3A_684, %get3A_1016, %get3A_1017] : memref<2x1x256xi32, #tpu.memory_space<vmem>> -> memref<1x1x256xi32, #tpu.memory_space<vmem>>
        %get3A_1019 = tpu.memref_squeeze %get3A_1018 : memref<1x1x256xi32, #tpu.memory_space<vmem>> -> memref<1x256xi32, #tpu.memory_space<vmem>>
        %get3A_1020 = arith.index_cast %get3A_1015 : i32 to index
        %get3A_1021 = arith.constant 192 : index
        %get3A_1022 = tpu.vector_load %get3A_1019[%get3A_1020, %get3A_1021] {strides = array<i32>} : memref<1x256xi32, #tpu.memory_space<vmem>>, vector<16xi32>,
        tpu.vector_store_idx %arg5[%add3A_1014], %get3A_1022 : memref<512xi32, #tpu.memory_space<vmem>>[vector<16xi32>], vector<16xi32>,
        %iota3A_1023 = tpu.iota {dimensions = array<i32: 0>} : vector<16xi32>
        %mul3A_1024 = arith.constant 2 : i32
        %mul3A_1025 = vector.broadcast %mul3A_1024 : i32 to vector<16xi32>
        %mul3A_1026 = arith.muli %iota3A_1023, %mul3A_1025 : vector<16xi32>
        %add3A_1027 = arith.constant 416 : i32
        %add3A_1028 = vector.broadcast %add3A_1027 : i32 to vector<16xi32>
        %add3A_1029 = arith.addi %mul3A_1026, %add3A_1028 : vector<16xi32>
        %get3A_1030 = arith.constant 0 : i32
        %get3A_1031 = arith.constant 0 : i32
        %get3A_1032 = arith.constant 0 : i32
        %get3A_1033 = tpu.memref_slice %run_scoped3A[%rem3A_682, %get3A_1031, %get3A_1032] : memref<2x1x256xi32, #tpu.memory_space<vmem>> -> memref<1x1x256xi32, #tpu.memory_space<vmem>>
        %get3A_1034 = tpu.memref_squeeze %get3A_1033 : memref<1x1x256xi32, #tpu.memory_space<vmem>> -> memref<1x256xi32, #tpu.memory_space<vmem>>
        %get3A_1035 = arith.index_cast %get3A_1030 : i32 to index
        %get3A_1036 = arith.constant 208 : index
        %get3A_1037 = tpu.vector_load %get3A_1034[%get3A_1035, %get3A_1036] {strides = array<i32>} : memref<1x256xi32, #tpu.memory_space<vmem>>, vector<16xi32>,
        tpu.vector_store_idx %arg5[%add3A_1029], %get3A_1037 : memref<512xi32, #tpu.memory_space<vmem>>[vector<16xi32>], vector<16xi32>,
        %add3A_1038 = arith.constant 1 : i32
        %add3A_1039 = vector.broadcast %add3A_1038 : i32 to vector<16xi32>
        %add3A_1040 = arith.addi %add3A_1029, %add3A_1039 : vector<16xi32>
        %get3A_1041 = arith.constant 0 : i32
        %get3A_1042 = arith.constant 0 : i32
        %get3A_1043 = arith.constant 0 : i32
        %get3A_1044 = tpu.memref_slice %run_scoped3A_8[%rem3A_684, %get3A_1042, %get3A_1043] : memref<2x1x256xi32, #tpu.memory_space<vmem>> -> memref<1x1x256xi32, #tpu.memory_space<vmem>>
        %get3A_1045 = tpu.memref_squeeze %get3A_1044 : memref<1x1x256xi32, #tpu.memory_space<vmem>> -> memref<1x256xi32, #tpu.memory_space<vmem>>
        %get3A_1046 = arith.index_cast %get3A_1041 : i32 to index
        %get3A_1047 = arith.constant 208 : index
        %get3A_1048 = tpu.vector_load %get3A_1045[%get3A_1046, %get3A_1047] {strides = array<i32>} : memref<1x256xi32, #tpu.memory_space<vmem>>, vector<16xi32>,
        tpu.vector_store_idx %arg5[%add3A_1040], %get3A_1048 : memref<512xi32, #tpu.memory_space<vmem>>[vector<16xi32>], vector<16xi32>,
        %iota3A_1049 = tpu.iota {dimensions = array<i32: 0>} : vector<16xi32>
        %mul3A_1050 = arith.constant 2 : i32
        %mul3A_1051 = vector.broadcast %mul3A_1050 : i32 to vector<16xi32>
        %mul3A_1052 = arith.muli %iota3A_1049, %mul3A_1051 : vector<16xi32>
        %add3A_1053 = arith.constant 448 : i32
        %add3A_1054 = vector.broadcast %add3A_1053 : i32 to vector<16xi32>
        %add3A_1055 = arith.addi %mul3A_1052, %add3A_1054 : vector<16xi32>
        %get3A_1056 = arith.constant 0 : i32
        %get3A_1057 = arith.constant 0 : i32
        %get3A_1058 = arith.constant 0 : i32
        %get3A_1059 = tpu.memref_slice %run_scoped3A[%rem3A_682, %get3A_1057, %get3A_1058] : memref<2x1x256xi32, #tpu.memory_space<vmem>> -> memref<1x1x256xi32, #tpu.memory_space<vmem>>
        %get3A_1060 = tpu.memref_squeeze %get3A_1059 : memref<1x1x256xi32, #tpu.memory_space<vmem>> -> memref<1x256xi32, #tpu.memory_space<vmem>>
        %get3A_1061 = arith.index_cast %get3A_1056 : i32 to index
        %get3A_1062 = arith.constant 224 : index
        %get3A_1063 = tpu.vector_load %get3A_1060[%get3A_1061, %get3A_1062] {strides = array<i32>} : memref<1x256xi32, #tpu.memory_space<vmem>>, vector<16xi32>,
        tpu.vector_store_idx %arg5[%add3A_1055], %get3A_1063 : memref<512xi32, #tpu.memory_space<vmem>>[vector<16xi32>], vector<16xi32>,
        %add3A_1064 = arith.constant 1 : i32
        %add3A_1065 = vector.broadcast %add3A_1064 : i32 to vector<16xi32>
        %add3A_1066 = arith.addi %add3A_1055, %add3A_1065 : vector<16xi32>
        %get3A_1067 = arith.constant 0 : i32
        %get3A_1068 = arith.constant 0 : i32
        %get3A_1069 = arith.constant 0 : i32
        %get3A_1070 = tpu.memref_slice %run_scoped3A_8[%rem3A_684, %get3A_1068, %get3A_1069] : memref<2x1x256xi32, #tpu.memory_space<vmem>> -> memref<1x1x256xi32, #tpu.memory_space<vmem>>
        %get3A_1071 = tpu.memref_squeeze %get3A_1070 : memref<1x1x256xi32, #tpu.memory_space<vmem>> -> memref<1x256xi32, #tpu.memory_space<vmem>>
        %get3A_1072 = arith.index_cast %get3A_1067 : i32 to index
        %get3A_1073 = arith.constant 224 : index
        %get3A_1074 = tpu.vector_load %get3A_1071[%get3A_1072, %get3A_1073] {strides = array<i32>} : memref<1x256xi32, #tpu.memory_space<vmem>>, vector<16xi32>,
        tpu.vector_store_idx %arg5[%add3A_1066], %get3A_1074 : memref<512xi32, #tpu.memory_space<vmem>>[vector<16xi32>], vector<16xi32>,
        %iota3A_1075 = tpu.iota {dimensions = array<i32: 0>} : vector<16xi32>
        %mul3A_1076 = arith.constant 2 : i32
        %mul3A_1077 = vector.broadcast %mul3A_1076 : i32 to vector<16xi32>
        %mul3A_1078 = arith.muli %iota3A_1075, %mul3A_1077 : vector<16xi32>
        %add3A_1079 = arith.constant 480 : i32
        %add3A_1080 = vector.broadcast %add3A_1079 : i32 to vector<16xi32>
        %add3A_1081 = arith.addi %mul3A_1078, %add3A_1080 : vector<16xi32>
        %get3A_1082 = arith.constant 0 : i32
        %get3A_1083 = arith.constant 0 : i32
        %get3A_1084 = arith.constant 0 : i32
        %get3A_1085 = tpu.memref_slice %run_scoped3A[%rem3A_682, %get3A_1083, %get3A_1084] : memref<2x1x256xi32, #tpu.memory_space<vmem>> -> memref<1x1x256xi32, #tpu.memory_space<vmem>>
        %get3A_1086 = tpu.memref_squeeze %get3A_1085 : memref<1x1x256xi32, #tpu.memory_space<vmem>> -> memref<1x256xi32, #tpu.memory_space<vmem>>
        %get3A_1087 = arith.index_cast %get3A_1082 : i32 to index
        %get3A_1088 = arith.constant 240 : index
        %get3A_1089 = tpu.vector_load %get3A_1086[%get3A_1087, %get3A_1088] {strides = array<i32>} : memref<1x256xi32, #tpu.memory_space<vmem>>, vector<16xi32>,
        tpu.vector_store_idx %arg5[%add3A_1081], %get3A_1089 : memref<512xi32, #tpu.memory_space<vmem>>[vector<16xi32>], vector<16xi32>,
        %add3A_1090 = arith.constant 1 : i32
        %add3A_1091 = vector.broadcast %add3A_1090 : i32 to vector<16xi32>
        %add3A_1092 = arith.addi %add3A_1081, %add3A_1091 : vector<16xi32>
        %get3A_1093 = arith.constant 0 : i32
        %get3A_1094 = arith.constant 0 : i32
        %get3A_1095 = arith.constant 0 : i32
        %get3A_1096 = tpu.memref_slice %run_scoped3A_8[%rem3A_684, %get3A_1094, %get3A_1095] : memref<2x1x256xi32, #tpu.memory_space<vmem>> -> memref<1x1x256xi32, #tpu.memory_space<vmem>>
        %get3A_1097 = tpu.memref_squeeze %get3A_1096 : memref<1x1x256xi32, #tpu.memory_space<vmem>> -> memref<1x256xi32, #tpu.memory_space<vmem>>
        %get3A_1098 = arith.index_cast %get3A_1093 : i32 to index
        %get3A_1099 = arith.constant 240 : index
        %get3A_1100 = tpu.vector_load %get3A_1097[%get3A_1098, %get3A_1099] {strides = array<i32>} : memref<1x256xi32, #tpu.memory_space<vmem>>, vector<16xi32>,
        tpu.vector_store_idx %arg5[%add3A_1092], %get3A_1100 : memref<512xi32, #tpu.memory_space<vmem>>[vector<16xi32>], vector<16xi32>,
        "tpu.region"() ({
          %run_scoped3A_1721 = tpu.sem_alloc : memref<!tpu.dma_semaphore, #tpu.memory_space<semaphore_mem>>
          %dma_start3A_1722 = arith.constant 0 : i32
          %dma_start3A_1723 = arith.constant 0 : i32
          %dma_start3A_1724 = tpu.memref_slice %run_scoped3A_10[%rem3A_686, %dma_start3A_1722, %dma_start3A_1723] : memref<2x512x64xf32, #tpu.memory_space<vmem>> -> memref<1x512x64xf32, #tpu.memory_space<vmem>>
          %dma_start3A_1725 = tpu.memref_squeeze %dma_start3A_1724 : memref<1x512x64xf32, #tpu.memory_space<vmem>> -> memref<512x64xf32, #tpu.memory_space<vmem>>
          %dma_start3A_1726 = arith.constant 0 : i32
          %dma_start3A_1727 = arith.constant 0 : i32
          %dma_start3A_1728 = tpu.memref_slice %arg2[%dma_start3A_1726, %dma_start3A_1727] : memref<1015808x64xf32, #tpu.memory_space<hbm>> -> memref<1015808x64xf32, #tpu.memory_space<hbm>>
          tpu.enqueue_indirect_dma source(%dma_start3A_1728 : memref<1015808x64xf32, #tpu.memory_space<hbm>>) target(%dma_start3A_1725 : memref<512x64xf32, #tpu.memory_space<vmem>>) offsets(%arg5 : memref<512xi32, #tpu.memory_space<vmem>>) semaphore(%run_scoped3A_1721 : memref<!tpu.dma_semaphore, #tpu.memory_space<semaphore_mem>>)
          %dma_wait3A_1729 = arith.constant 0 : i32
          %dma_wait3A_1730 = arith.constant 0 : i32
          %dma_wait3A_1731 = tpu.memref_slice %run_scoped3A_10[%rem3A_686, %dma_wait3A_1729, %dma_wait3A_1730] : memref<2x512x64xf32, #tpu.memory_space<vmem>> -> memref<1x512x64xf32, #tpu.memory_space<vmem>>
          %dma_wait3A_1732 = tpu.memref_squeeze %dma_wait3A_1731 : memref<1x512x64xf32, #tpu.memory_space<vmem>> -> memref<512x64xf32, #tpu.memory_space<vmem>>
          %dma_wait3A_1733 = arith.constant 0 : i32
          %dma_wait3A_1734 = arith.constant 0 : i32
          %dma_wait3A_1735 = tpu.memref_slice %arg2[%dma_wait3A_1733, %dma_wait3A_1734] : memref<1015808x64xf32, #tpu.memory_space<hbm>> -> memref<1015808x64xf32, #tpu.memory_space<hbm>>
          tpu.wait_indirect_dma semaphore(%run_scoped3A_1721 : memref<!tpu.dma_semaphore, #tpu.memory_space<semaphore_mem>>) src(%dma_wait3A_1735 : memref<1015808x64xf32, #tpu.memory_space<hbm>>) dst(%dma_wait3A_1732 : memref<512x64xf32, #tpu.memory_space<vmem>>)
          tpu.yield
        }) : () -> ()
        %jit3A_1101 = arith.constant 64 : i32
        "tpu.trace_stop"() : () -> ()
        %div3A_1102 = arith.divsi %add3A_241, %jit3A_1101 : i32
        %sign3A_1103 = arith.constant 0 : i32
        %sign3A_1104 = arith.cmpi sgt, %add3A_241, %sign3A_1103 : i32
        %sign3A_1105 = arith.extui %sign3A_1104 : i1 to i32
        %sign3A_1106 = arith.constant 0 : i32
        %sign3A_1107 = arith.cmpi slt, %add3A_241, %sign3A_1106 : i32
        %sign3A_1108 = arith.extui %sign3A_1107 : i1 to i32
        %sign3A_1109 = arith.subi %sign3A_1105, %sign3A_1108 : i32
        %sign3A_1110 = arith.constant 0 : i32
        %sign3A_1111 = arith.cmpi sgt, %jit3A_1101, %sign3A_1110 : i32
        %sign3A_1112 = arith.extui %sign3A_1111 : i1 to i32
        %sign3A_1113 = arith.constant 0 : i32
        %sign3A_1114 = arith.cmpi slt, %jit3A_1101, %sign3A_1113 : i32
        %sign3A_1115 = arith.extui %sign3A_1114 : i1 to i32
        %sign3A_1116 = arith.subi %sign3A_1112, %sign3A_1115 : i32
        %ne3A_1117 = arith.cmpi ne, %sign3A_1109, %sign3A_1116 : i32
        %rem3A_1118 = arith.remsi %add3A_241, %jit3A_1101 : i32
        %ne3A_1119 = arith.constant 0 : i32
        %ne3A_1120 = arith.cmpi ne, %rem3A_1118, %ne3A_1119 : i32
        %and3A_1121 = arith.andi %ne3A_1117, %ne3A_1120 : i1
        %sub3A_1122 = arith.constant 1 : i32
        %sub3A_1123 = arith.subi %div3A_1102, %sub3A_1122 : i32
        %select_n3A_1124 = arith.select %and3A_1121, %sub3A_1123, %div3A_1102 : i32
        %mul3A_1125 = arith.constant 2 : i32
        %mul3A_1126 = arith.muli %mul3A_1125, %select_n3A_1124 : i32
        %jit3A_1127 = arith.constant 64 : i32
        %eq3A_1128 = arith.constant 0 : i32
        %eq3A_1129 = arith.cmpi eq, %jit3A_1127, %eq3A_1128 : i32
        %jit3A_1130 = arith.constant 1 : i32
        %select_n3A_1131 = arith.select %eq3A_1129, %jit3A_1130, %jit3A_1127 : i32
        %rem3A_1132 = arith.remsi %add3A_241, %select_n3A_1131 : i32
        %ne3A_1133 = arith.constant 0 : i32
        %ne3A_1134 = arith.cmpi ne, %rem3A_1132, %ne3A_1133 : i32
        %lt3A_1135 = arith.constant 0 : i32
        %lt3A_1136 = arith.cmpi slt, %rem3A_1132, %lt3A_1135 : i32
        %lt3A_1137 = arith.constant 0 : i32
        %lt3A_1138 = arith.cmpi slt, %select_n3A_1131, %lt3A_1137 : i32
        %ne3A_1139 = arith.xori %lt3A_1136, %lt3A_1138 : i1
        %and3A_1140 = arith.andi %ne3A_1139, %ne3A_1134 : i1
        %add3A_1141 = arith.addi %rem3A_1132, %select_n3A_1131 : i32
        %select_n3A_1142 = arith.select %and3A_1140, %add3A_1141, %rem3A_1132 : i32
        %jit3A_1143 = arith.constant 64 : i32
        %div3A_1144 = arith.divsi %add3A_259, %jit3A_1143 : i32
        %sign3A_1145 = arith.constant 0 : i32
        %sign3A_1146 = arith.cmpi sgt, %add3A_259, %sign3A_1145 : i32
        %sign3A_1147 = arith.extui %sign3A_1146 : i1 to i32
        %sign3A_1148 = arith.constant 0 : i32
        %sign3A_1149 = arith.cmpi slt, %add3A_259, %sign3A_1148 : i32
        %sign3A_1150 = arith.extui %sign3A_1149 : i1 to i32
        %sign3A_1151 = arith.subi %sign3A_1147, %sign3A_1150 : i32
        %sign3A_1152 = arith.constant 0 : i32
        %sign3A_1153 = arith.cmpi sgt, %jit3A_1143, %sign3A_1152 : i32
        %sign3A_1154 = arith.extui %sign3A_1153 : i1 to i32
        %sign3A_1155 = arith.constant 0 : i32
        %sign3A_1156 = arith.cmpi slt, %jit3A_1143, %sign3A_1155 : i32
        %sign3A_1157 = arith.extui %sign3A_1156 : i1 to i32
        %sign3A_1158 = arith.subi %sign3A_1154, %sign3A_1157 : i32
        %ne3A_1159 = arith.cmpi ne, %sign3A_1151, %sign3A_1158 : i32
        %rem3A_1160 = arith.remsi %add3A_259, %jit3A_1143 : i32
        %ne3A_1161 = arith.constant 0 : i32
        %ne3A_1162 = arith.cmpi ne, %rem3A_1160, %ne3A_1161 : i32
        %and3A_1163 = arith.andi %ne3A_1159, %ne3A_1162 : i1
        %sub3A_1164 = arith.constant 1 : i32
        %sub3A_1165 = arith.subi %div3A_1144, %sub3A_1164 : i32
        %select_n3A_1166 = arith.select %and3A_1163, %sub3A_1165, %div3A_1144 : i32
        %mul3A_1167 = arith.constant 2 : i32
        %mul3A_1168 = arith.muli %mul3A_1167, %select_n3A_1166 : i32
        %jit3A_1169 = arith.constant 64 : i32
        %eq3A_1170 = arith.constant 0 : i32
        %eq3A_1171 = arith.cmpi eq, %jit3A_1169, %eq3A_1170 : i32
        %jit3A_1172 = arith.constant 1 : i32
        %select_n3A_1173 = arith.select %eq3A_1171, %jit3A_1172, %jit3A_1169 : i32
        %rem3A_1174 = arith.remsi %add3A_259, %select_n3A_1173 : i32
        %ne3A_1175 = arith.constant 0 : i32
        %ne3A_1176 = arith.cmpi ne, %rem3A_1174, %ne3A_1175 : i32
        %lt3A_1177 = arith.constant 0 : i32
        %lt3A_1178 = arith.cmpi slt, %rem3A_1174, %lt3A_1177 : i32
        %lt3A_1179 = arith.constant 0 : i32
        %lt3A_1180 = arith.cmpi slt, %select_n3A_1173, %lt3A_1179 : i32
        %ne3A_1181 = arith.xori %lt3A_1178, %lt3A_1180 : i1
        %and3A_1182 = arith.andi %ne3A_1181, %ne3A_1176 : i1
        %add3A_1183 = arith.addi %rem3A_1174, %select_n3A_1173 : i32
        %select_n3A_1184 = arith.select %and3A_1182, %add3A_1183, %rem3A_1174 : i32
        %ne3A_1185 = arith.cmpi ne, %mul3A_1126, %mul3A_1168 : i32
        %ne3A_1186 = arith.cmpi ne, %select_n3A_1142, %select_n3A_1184 : i32
        %or3A_1187 = arith.constant false
        %or3A_1188 = arith.ori %or3A_1187, %ne3A_1185 : i1
        %or3A_1189 = arith.ori %or3A_1188, %ne3A_1186 : i1
        %or3A_1190 = arith.ori %or3A_1189, %eq3A_240 : i1
        %convert_element_type3A_1191 = arith.extui %or3A_1190 : i1 to i32
        %cond3A_1192 = arith.constant 0 : i32
        %cond3A_1193 = arith.cmpi ne, %convert_element_type3A_1191, %cond3A_1192 : i32
        scf.if %cond3A_1193 {
        } else {
        }
        %and3A_1194 = arith.constant false
        %and3A_1195 = arith.andi %or3A_1190, %and3A_1194 : i1
        %jit3A_1196 = arith.constant 64 : i32
        %div3A_1197 = arith.divsi %add3A_241, %jit3A_1196 : i32
        %sign3A_1198 = arith.constant 0 : i32
        %sign3A_1199 = arith.cmpi sgt, %add3A_241, %sign3A_1198 : i32
        %sign3A_1200 = arith.extui %sign3A_1199 : i1 to i32
        %sign3A_1201 = arith.constant 0 : i32
        %sign3A_1202 = arith.cmpi slt, %add3A_241, %sign3A_1201 : i32
        %sign3A_1203 = arith.extui %sign3A_1202 : i1 to i32
        %sign3A_1204 = arith.subi %sign3A_1200, %sign3A_1203 : i32
        %sign3A_1205 = arith.constant 0 : i32
        %sign3A_1206 = arith.cmpi sgt, %jit3A_1196, %sign3A_1205 : i32
        %sign3A_1207 = arith.extui %sign3A_1206 : i1 to i32
        %sign3A_1208 = arith.constant 0 : i32
        %sign3A_1209 = arith.cmpi slt, %jit3A_1196, %sign3A_1208 : i32
        %sign3A_1210 = arith.extui %sign3A_1209 : i1 to i32
        %sign3A_1211 = arith.subi %sign3A_1207, %sign3A_1210 : i32
        %ne3A_1212 = arith.cmpi ne, %sign3A_1204, %sign3A_1211 : i32
        %rem3A_1213 = arith.remsi %add3A_241, %jit3A_1196 : i32
        %ne3A_1214 = arith.constant 0 : i32
        %ne3A_1215 = arith.cmpi ne, %rem3A_1213, %ne3A_1214 : i32
        %and3A_1216 = arith.andi %ne3A_1212, %ne3A_1215 : i1
        %sub3A_1217 = arith.constant 1 : i32
        %sub3A_1218 = arith.subi %div3A_1197, %sub3A_1217 : i32
        %select_n3A_1219 = arith.select %and3A_1216, %sub3A_1218, %div3A_1197 : i32
        %mul3A_1220 = arith.constant 2 : i32
        %mul3A_1221 = arith.muli %mul3A_1220, %select_n3A_1219 : i32
        %add3A_1222 = arith.constant 1 : i32
        %add3A_1223 = arith.addi %mul3A_1221, %add3A_1222 : i32
        %jit3A_1224 = arith.constant 64 : i32
        %eq3A_1225 = arith.constant 0 : i32
        %eq3A_1226 = arith.cmpi eq, %jit3A_1224, %eq3A_1225 : i32
        %jit3A_1227 = arith.constant 1 : i32
        %select_n3A_1228 = arith.select %eq3A_1226, %jit3A_1227, %jit3A_1224 : i32
        %rem3A_1229 = arith.remsi %add3A_241, %select_n3A_1228 : i32
        %ne3A_1230 = arith.constant 0 : i32
        %ne3A_1231 = arith.cmpi ne, %rem3A_1229, %ne3A_1230 : i32
        %lt3A_1232 = arith.constant 0 : i32
        %lt3A_1233 = arith.cmpi slt, %rem3A_1229, %lt3A_1232 : i32
        %lt3A_1234 = arith.constant 0 : i32
        %lt3A_1235 = arith.cmpi slt, %select_n3A_1228, %lt3A_1234 : i32
        %ne3A_1236 = arith.xori %lt3A_1233, %lt3A_1235 : i1
        %and3A_1237 = arith.andi %ne3A_1236, %ne3A_1231 : i1
        %add3A_1238 = arith.addi %rem3A_1229, %select_n3A_1228 : i32
        %select_n3A_1239 = arith.select %and3A_1237, %add3A_1238, %rem3A_1229 : i32
        %jit3A_1240 = arith.constant 64 : i32
        %div3A_1241 = arith.divsi %add3A_259, %jit3A_1240 : i32
        %sign3A_1242 = arith.constant 0 : i32
        %sign3A_1243 = arith.cmpi sgt, %add3A_259, %sign3A_1242 : i32
        %sign3A_1244 = arith.extui %sign3A_1243 : i1 to i32
        %sign3A_1245 = arith.constant 0 : i32
        %sign3A_1246 = arith.cmpi slt, %add3A_259, %sign3A_1245 : i32
        %sign3A_1247 = arith.extui %sign3A_1246 : i1 to i32
        %sign3A_1248 = arith.subi %sign3A_1244, %sign3A_1247 : i32
        %sign3A_1249 = arith.constant 0 : i32
        %sign3A_1250 = arith.cmpi sgt, %jit3A_1240, %sign3A_1249 : i32
        %sign3A_1251 = arith.extui %sign3A_1250 : i1 to i32
        %sign3A_1252 = arith.constant 0 : i32
        %sign3A_1253 = arith.cmpi slt, %jit3A_1240, %sign3A_1252 : i32
        %sign3A_1254 = arith.extui %sign3A_1253 : i1 to i32
        %sign3A_1255 = arith.subi %sign3A_1251, %sign3A_1254 : i32
        %ne3A_1256 = arith.cmpi ne, %sign3A_1248, %sign3A_1255 : i32
        %rem3A_1257 = arith.remsi %add3A_259, %jit3A_1240 : i32
        %ne3A_1258 = arith.constant 0 : i32
        %ne3A_1259 = arith.cmpi ne, %rem3A_1257, %ne3A_1258 : i32
        %and3A_1260 = arith.andi %ne3A_1256, %ne3A_1259 : i1
        %sub3A_1261 = arith.constant 1 : i32
        %sub3A_1262 = arith.subi %div3A_1241, %sub3A_1261 : i32
        %select_n3A_1263 = arith.select %and3A_1260, %sub3A_1262, %div3A_1241 : i32
        %mul3A_1264 = arith.constant 2 : i32
        %mul3A_1265 = arith.muli %mul3A_1264, %select_n3A_1263 : i32
        %add3A_1266 = arith.constant 1 : i32
        %add3A_1267 = arith.addi %mul3A_1265, %add3A_1266 : i32
        %jit3A_1268 = arith.constant 64 : i32
        %eq3A_1269 = arith.constant 0 : i32
        %eq3A_1270 = arith.cmpi eq, %jit3A_1268, %eq3A_1269 : i32
        %jit3A_1271 = arith.constant 1 : i32
        %select_n3A_1272 = arith.select %eq3A_1270, %jit3A_1271, %jit3A_1268 : i32
        %rem3A_1273 = arith.remsi %add3A_259, %select_n3A_1272 : i32
        %ne3A_1274 = arith.constant 0 : i32
        %ne3A_1275 = arith.cmpi ne, %rem3A_1273, %ne3A_1274 : i32
        %lt3A_1276 = arith.constant 0 : i32
        %lt3A_1277 = arith.cmpi slt, %rem3A_1273, %lt3A_1276 : i32
        %lt3A_1278 = arith.constant 0 : i32
        %lt3A_1279 = arith.cmpi slt, %select_n3A_1272, %lt3A_1278 : i32
        %ne3A_1280 = arith.xori %lt3A_1277, %lt3A_1279 : i1
        %and3A_1281 = arith.andi %ne3A_1280, %ne3A_1275 : i1
        %add3A_1282 = arith.addi %rem3A_1273, %select_n3A_1272 : i32
        %select_n3A_1283 = arith.select %and3A_1281, %add3A_1282, %rem3A_1273 : i32
        %ne3A_1284 = arith.cmpi ne, %add3A_1223, %add3A_1267 : i32
        %ne3A_1285 = arith.cmpi ne, %select_n3A_1239, %select_n3A_1283 : i32
        %or3A_1286 = arith.constant false
        %or3A_1287 = arith.ori %or3A_1286, %ne3A_1284 : i1
        %or3A_1288 = arith.ori %or3A_1287, %ne3A_1285 : i1
        %or3A_1289 = arith.ori %or3A_1288, %eq3A_240 : i1
        %convert_element_type3A_1290 = arith.extui %or3A_1289 : i1 to i32
        %cond3A_1291 = arith.constant 0 : i32
        %cond3A_1292 = arith.cmpi ne, %convert_element_type3A_1290, %cond3A_1291 : i32
        scf.if %cond3A_1292 {
        } else {
        }
        %and3A_1293 = arith.constant false
        %and3A_1294 = arith.andi %or3A_1289, %and3A_1293 : i1
        %ne3A_1295 = arith.cmpi ne, %add3A_241, %add3A_259 : i32
        %or3A_1296 = arith.constant false
        %or3A_1297 = arith.ori %or3A_1296, %ne3A_1295 : i1
        %or3A_1298 = arith.constant false
        %or3A_1299 = arith.ori %or3A_1297, %or3A_1298 : i1
        %or3A_1300 = arith.ori %or3A_1299, %eq3A_240 : i1
        %convert_element_type3A_1301 = arith.extui %or3A_1300 : i1 to i32
        %cond3A_1302 = arith.constant 0 : i32
        %cond3A_1303 = arith.cmpi ne, %convert_element_type3A_1301, %cond3A_1302 : i32
        scf.if %cond3A_1303 {
          "tpu.trace_start"() <{level = 10 : i32, message = "ep_copy_out"}> : () -> ()
          %rem3A_1721 = arith.constant 2 : i32
          %rem3A_1722 = arith.remui %scan3A_234, %rem3A_1721 : i32
          %mul3A_1723 = arith.constant 512 : i32
          %mul3A_1724 = arith.muli %mul3A_1723, %add3A_241 : i32
          %dma_start3A_1725 = arith.constant 0 : i32
          %dma_start3A_1726 = arith.constant 0 : i32
          %dma_start3A_1727 = tpu.memref_slice %run_scoped3A_10[%rem3A_1722, %dma_start3A_1725, %dma_start3A_1726] : memref<2x512x64xf32, #tpu.memory_space<vmem>> -> memref<1x512x64xf32, #tpu.memory_space<vmem>>
          %dma_start3A_1728 = tpu.memref_squeeze %dma_start3A_1727 : memref<1x512x64xf32, #tpu.memory_space<vmem>> -> memref<512x64xf32, #tpu.memory_space<vmem>>
          %dma_start3A_1729 = arith.constant 0 : i32
          %dma_start3A_1730 = tpu.memref_slice %arg4[%mul3A_1724, %dma_start3A_1729] : memref<819200x64xf32, #tpu.memory_space<hbm>> -> memref<512x64xf32, #tpu.memory_space<hbm>>
          %dma_start3A_1731 = tpu.memref_slice %run_scoped3A_11[%rem3A_1722] : memref<2x!tpu.dma_semaphore, #tpu.memory_space<semaphore_mem>> -> memref<1x!tpu.dma_semaphore, #tpu.memory_space<semaphore_mem>>
          %dma_start3A_1732 = tpu.memref_squeeze %dma_start3A_1731 : memref<1x!tpu.dma_semaphore, #tpu.memory_space<semaphore_mem>> -> memref<!tpu.dma_semaphore, #tpu.memory_space<semaphore_mem>>
          %dma_start3A_1733 = arith.constant 0 : i32
          %dma_start3A_1734 = tpu.memref_slice %arg4[%mul3A_1724, %dma_start3A_1733] : memref<819200x64xf32, #tpu.memory_space<hbm>> -> memref<512x64xf32, #tpu.memory_space<hbm>>
          %dma_start3A_1735 = arith.constant 0 : i32
          %dma_start3A_1736 = arith.constant 0 : i32
          %dma_start3A_1737 = tpu.memref_slice %run_scoped3A_10[%rem3A_1722, %dma_start3A_1735, %dma_start3A_1736] : memref<2x512x64xf32, #tpu.memory_space<vmem>> -> memref<1x512x64xf32, #tpu.memory_space<vmem>>
          %dma_start3A_1738 = tpu.memref_squeeze %dma_start3A_1737 : memref<1x512x64xf32, #tpu.memory_space<vmem>> -> memref<512x64xf32, #tpu.memory_space<vmem>>
          tpu.enqueue_dma source(%dma_start3A_1738 : memref<512x64xf32, #tpu.memory_space<vmem>>) target(%dma_start3A_1734 : memref<512x64xf32, #tpu.memory_space<hbm>>) target_semaphore(%dma_start3A_1732 : memref<!tpu.dma_semaphore, #tpu.memory_space<semaphore_mem>>)
          "tpu.trace_stop"() : () -> ()
        } else {
        }
        %and3A_1304 = arith.constant true
        %and3A_1305 = arith.andi %or3A_1300, %and3A_1304 : i1
        %add3A_1306 = arith.constant 1 : i32
        %add3A_1307 = arith.addi %scan3A_234, %add3A_1306 : i32
        %select_n3A_1308 = arith.select %and3A_1305, %add3A_1307, %scan3A_234 : i32
        %jit3A_1309 = arith.constant 64 : i32
        %div3A_1310 = arith.divsi %add3A_241, %jit3A_1309 : i32
        %sign3A_1311 = arith.constant 0 : i32
        %sign3A_1312 = arith.cmpi sgt, %add3A_241, %sign3A_1311 : i32
        %sign3A_1313 = arith.extui %sign3A_1312 : i1 to i32
        %sign3A_1314 = arith.constant 0 : i32
        %sign3A_1315 = arith.cmpi slt, %add3A_241, %sign3A_1314 : i32
        %sign3A_1316 = arith.extui %sign3A_1315 : i1 to i32
        %sign3A_1317 = arith.subi %sign3A_1313, %sign3A_1316 : i32
        %sign3A_1318 = arith.constant 0 : i32
        %sign3A_1319 = arith.cmpi sgt, %jit3A_1309, %sign3A_1318 : i32
        %sign3A_1320 = arith.extui %sign3A_1319 : i1 to i32
        %sign3A_1321 = arith.constant 0 : i32
        %sign3A_1322 = arith.cmpi slt, %jit3A_1309, %sign3A_1321 : i32
        %sign3A_1323 = arith.extui %sign3A_1322 : i1 to i32
        %sign3A_1324 = arith.subi %sign3A_1320, %sign3A_1323 : i32
        %ne3A_1325 = arith.cmpi ne, %sign3A_1317, %sign3A_1324 : i32
        %rem3A_1326 = arith.remsi %add3A_241, %jit3A_1309 : i32
        %ne3A_1327 = arith.constant 0 : i32
        %ne3A_1328 = arith.cmpi ne, %rem3A_1326, %ne3A_1327 : i32
        %and3A_1329 = arith.andi %ne3A_1325, %ne3A_1328 : i1
        %sub3A_1330 = arith.constant 1 : i32
        %sub3A_1331 = arith.subi %div3A_1310, %sub3A_1330 : i32
        %select_n3A_1332 = arith.select %and3A_1329, %sub3A_1331, %div3A_1310 : i32
        %mul3A_1333 = arith.constant 2 : i32
        %mul3A_1334 = arith.muli %mul3A_1333, %select_n3A_1332 : i32
        %jit3A_1335 = arith.constant 64 : i32
        %eq3A_1336 = arith.constant 0 : i32
        %eq3A_1337 = arith.cmpi eq, %jit3A_1335, %eq3A_1336 : i32
        %jit3A_1338 = arith.constant 1 : i32
        %select_n3A_1339 = arith.select %eq3A_1337, %jit3A_1338, %jit3A_1335 : i32
        %rem3A_1340 = arith.remsi %add3A_241, %select_n3A_1339 : i32
        %ne3A_1341 = arith.constant 0 : i32
        %ne3A_1342 = arith.cmpi ne, %rem3A_1340, %ne3A_1341 : i32
        %lt3A_1343 = arith.constant 0 : i32
        %lt3A_1344 = arith.cmpi slt, %rem3A_1340, %lt3A_1343 : i32
        %lt3A_1345 = arith.constant 0 : i32
        %lt3A_1346 = arith.cmpi slt, %select_n3A_1339, %lt3A_1345 : i32
        %ne3A_1347 = arith.xori %lt3A_1344, %lt3A_1346 : i1
        %and3A_1348 = arith.andi %ne3A_1347, %ne3A_1342 : i1
        %add3A_1349 = arith.addi %rem3A_1340, %select_n3A_1339 : i32
        %select_n3A_1350 = arith.select %and3A_1348, %add3A_1349, %rem3A_1340 : i32
        %jit3A_1351 = arith.constant 64 : i32
        %div3A_1352 = arith.divsi %add3A_250, %jit3A_1351 : i32
        %sign3A_1353 = arith.constant 0 : i32
        %sign3A_1354 = arith.cmpi sgt, %add3A_250, %sign3A_1353 : i32
        %sign3A_1355 = arith.extui %sign3A_1354 : i1 to i32
        %sign3A_1356 = arith.constant 0 : i32
        %sign3A_1357 = arith.cmpi slt, %add3A_250, %sign3A_1356 : i32
        %sign3A_1358 = arith.extui %sign3A_1357 : i1 to i32
        %sign3A_1359 = arith.subi %sign3A_1355, %sign3A_1358 : i32
        %sign3A_1360 = arith.constant 0 : i32
        %sign3A_1361 = arith.cmpi sgt, %jit3A_1351, %sign3A_1360 : i32
        %sign3A_1362 = arith.extui %sign3A_1361 : i1 to i32
        %sign3A_1363 = arith.constant 0 : i32
        %sign3A_1364 = arith.cmpi slt, %jit3A_1351, %sign3A_1363 : i32
        %sign3A_1365 = arith.extui %sign3A_1364 : i1 to i32
        %sign3A_1366 = arith.subi %sign3A_1362, %sign3A_1365 : i32
        %ne3A_1367 = arith.cmpi ne, %sign3A_1359, %sign3A_1366 : i32
        %rem3A_1368 = arith.remsi %add3A_250, %jit3A_1351 : i32
        %ne3A_1369 = arith.constant 0 : i32
        %ne3A_1370 = arith.cmpi ne, %rem3A_1368, %ne3A_1369 : i32
        %and3A_1371 = arith.andi %ne3A_1367, %ne3A_1370 : i1
        %sub3A_1372 = arith.constant 1 : i32
        %sub3A_1373 = arith.subi %div3A_1352, %sub3A_1372 : i32
        %select_n3A_1374 = arith.select %and3A_1371, %sub3A_1373, %div3A_1352 : i32
        %mul3A_1375 = arith.constant 2 : i32
        %mul3A_1376 = arith.muli %mul3A_1375, %select_n3A_1374 : i32
        %jit3A_1377 = arith.constant 64 : i32
        %eq3A_1378 = arith.constant 0 : i32
        %eq3A_1379 = arith.cmpi eq, %jit3A_1377, %eq3A_1378 : i32
        %jit3A_1380 = arith.constant 1 : i32
        %select_n3A_1381 = arith.select %eq3A_1379, %jit3A_1380, %jit3A_1377 : i32
        %rem3A_1382 = arith.remsi %add3A_250, %select_n3A_1381 : i32
        %ne3A_1383 = arith.constant 0 : i32
        %ne3A_1384 = arith.cmpi ne, %rem3A_1382, %ne3A_1383 : i32
        %lt3A_1385 = arith.constant 0 : i32
        %lt3A_1386 = arith.cmpi slt, %rem3A_1382, %lt3A_1385 : i32
        %lt3A_1387 = arith.constant 0 : i32
        %lt3A_1388 = arith.cmpi slt, %select_n3A_1381, %lt3A_1387 : i32
        %ne3A_1389 = arith.xori %lt3A_1386, %lt3A_1388 : i1
        %and3A_1390 = arith.andi %ne3A_1389, %ne3A_1384 : i1
        %add3A_1391 = arith.addi %rem3A_1382, %select_n3A_1381 : i32
        %select_n3A_1392 = arith.select %and3A_1390, %add3A_1391, %rem3A_1382 : i32
        %ne3A_1393 = arith.cmpi ne, %mul3A_1334, %mul3A_1376 : i32
        %ne3A_1394 = arith.cmpi ne, %select_n3A_1350, %select_n3A_1392 : i32
        %or3A_1395 = arith.constant false
        %or3A_1396 = arith.ori %or3A_1395, %ne3A_1393 : i1
        %or3A_1397 = arith.ori %or3A_1396, %ne3A_1394 : i1
        %not3A_1398 = arith.constant true
        %not3A_1399 = arith.xori %eq3A_238, %not3A_1398 : i1
        %and3A_1400 = arith.andi %or3A_1397, %not3A_1399 : i1
        %convert_element_type3A_1401 = arith.extui %and3A_1400 : i1 to i32
        %cond3A_1402 = arith.constant 0 : i32
        %cond3A_1403 = arith.cmpi ne, %convert_element_type3A_1401, %cond3A_1402 : i32
        scf.if %cond3A_1403 {
        } else {
        }
        %and3A_1404 = arith.constant false
        %and3A_1405 = arith.andi %and3A_1400, %and3A_1404 : i1
        %jit3A_1406 = arith.constant 64 : i32
        %div3A_1407 = arith.divsi %add3A_241, %jit3A_1406 : i32
        %sign3A_1408 = arith.constant 0 : i32
        %sign3A_1409 = arith.cmpi sgt, %add3A_241, %sign3A_1408 : i32
        %sign3A_1410 = arith.extui %sign3A_1409 : i1 to i32
        %sign3A_1411 = arith.constant 0 : i32
        %sign3A_1412 = arith.cmpi slt, %add3A_241, %sign3A_1411 : i32
        %sign3A_1413 = arith.extui %sign3A_1412 : i1 to i32
        %sign3A_1414 = arith.subi %sign3A_1410, %sign3A_1413 : i32
        %sign3A_1415 = arith.constant 0 : i32
        %sign3A_1416 = arith.cmpi sgt, %jit3A_1406, %sign3A_1415 : i32
        %sign3A_1417 = arith.extui %sign3A_1416 : i1 to i32
        %sign3A_1418 = arith.constant 0 : i32
        %sign3A_1419 = arith.cmpi slt, %jit3A_1406, %sign3A_1418 : i32
        %sign3A_1420 = arith.extui %sign3A_1419 : i1 to i32
        %sign3A_1421 = arith.subi %sign3A_1417, %sign3A_1420 : i32
        %ne3A_1422 = arith.cmpi ne, %sign3A_1414, %sign3A_1421 : i32
        %rem3A_1423 = arith.remsi %add3A_241, %jit3A_1406 : i32
        %ne3A_1424 = arith.constant 0 : i32
        %ne3A_1425 = arith.cmpi ne, %rem3A_1423, %ne3A_1424 : i32
        %and3A_1426 = arith.andi %ne3A_1422, %ne3A_1425 : i1
        %sub3A_1427 = arith.constant 1 : i32
        %sub3A_1428 = arith.subi %div3A_1407, %sub3A_1427 : i32
        %select_n3A_1429 = arith.select %and3A_1426, %sub3A_1428, %div3A_1407 : i32
        %mul3A_1430 = arith.constant 2 : i32
        %mul3A_1431 = arith.muli %mul3A_1430, %select_n3A_1429 : i32
        %add3A_1432 = arith.constant 1 : i32
        %add3A_1433 = arith.addi %mul3A_1431, %add3A_1432 : i32
        %jit3A_1434 = arith.constant 64 : i32
        %eq3A_1435 = arith.constant 0 : i32
        %eq3A_1436 = arith.cmpi eq, %jit3A_1434, %eq3A_1435 : i32
        %jit3A_1437 = arith.constant 1 : i32
        %select_n3A_1438 = arith.select %eq3A_1436, %jit3A_1437, %jit3A_1434 : i32
        %rem3A_1439 = arith.remsi %add3A_241, %select_n3A_1438 : i32
        %ne3A_1440 = arith.constant 0 : i32
        %ne3A_1441 = arith.cmpi ne, %rem3A_1439, %ne3A_1440 : i32
        %lt3A_1442 = arith.constant 0 : i32
        %lt3A_1443 = arith.cmpi slt, %rem3A_1439, %lt3A_1442 : i32
        %lt3A_1444 = arith.constant 0 : i32
        %lt3A_1445 = arith.cmpi slt, %select_n3A_1438, %lt3A_1444 : i32
        %ne3A_1446 = arith.xori %lt3A_1443, %lt3A_1445 : i1
        %and3A_1447 = arith.andi %ne3A_1446, %ne3A_1441 : i1
        %add3A_1448 = arith.addi %rem3A_1439, %select_n3A_1438 : i32
        %select_n3A_1449 = arith.select %and3A_1447, %add3A_1448, %rem3A_1439 : i32
        %jit3A_1450 = arith.constant 64 : i32
        %div3A_1451 = arith.divsi %add3A_250, %jit3A_1450 : i32
        %sign3A_1452 = arith.constant 0 : i32
        %sign3A_1453 = arith.cmpi sgt, %add3A_250, %sign3A_1452 : i32
        %sign3A_1454 = arith.extui %sign3A_1453 : i1 to i32
        %sign3A_1455 = arith.constant 0 : i32
        %sign3A_1456 = arith.cmpi slt, %add3A_250, %sign3A_1455 : i32
        %sign3A_1457 = arith.extui %sign3A_1456 : i1 to i32
        %sign3A_1458 = arith.subi %sign3A_1454, %sign3A_1457 : i32
        %sign3A_1459 = arith.constant 0 : i32
        %sign3A_1460 = arith.cmpi sgt, %jit3A_1450, %sign3A_1459 : i32
        %sign3A_1461 = arith.extui %sign3A_1460 : i1 to i32
        %sign3A_1462 = arith.constant 0 : i32
        %sign3A_1463 = arith.cmpi slt, %jit3A_1450, %sign3A_1462 : i32
        %sign3A_1464 = arith.extui %sign3A_1463 : i1 to i32
        %sign3A_1465 = arith.subi %sign3A_1461, %sign3A_1464 : i32
        %ne3A_1466 = arith.cmpi ne, %sign3A_1458, %sign3A_1465 : i32
        %rem3A_1467 = arith.remsi %add3A_250, %jit3A_1450 : i32
        %ne3A_1468 = arith.constant 0 : i32
        %ne3A_1469 = arith.cmpi ne, %rem3A_1467, %ne3A_1468 : i32
        %and3A_1470 = arith.andi %ne3A_1466, %ne3A_1469 : i1
        %sub3A_1471 = arith.constant 1 : i32
        %sub3A_1472 = arith.subi %div3A_1451, %sub3A_1471 : i32
        %select_n3A_1473 = arith.select %and3A_1470, %sub3A_1472, %div3A_1451 : i32
        %mul3A_1474 = arith.constant 2 : i32
        %mul3A_1475 = arith.muli %mul3A_1474, %select_n3A_1473 : i32
        %add3A_1476 = arith.constant 1 : i32
        %add3A_1477 = arith.addi %mul3A_1475, %add3A_1476 : i32
        %jit3A_1478 = arith.constant 64 : i32
        %eq3A_1479 = arith.constant 0 : i32
        %eq3A_1480 = arith.cmpi eq, %jit3A_1478, %eq3A_1479 : i32
        %jit3A_1481 = arith.constant 1 : i32
        %select_n3A_1482 = arith.select %eq3A_1480, %jit3A_1481, %jit3A_1478 : i32
        %rem3A_1483 = arith.remsi %add3A_250, %select_n3A_1482 : i32
        %ne3A_1484 = arith.constant 0 : i32
        %ne3A_1485 = arith.cmpi ne, %rem3A_1483, %ne3A_1484 : i32
        %lt3A_1486 = arith.constant 0 : i32
        %lt3A_1487 = arith.cmpi slt, %rem3A_1483, %lt3A_1486 : i32
        %lt3A_1488 = arith.constant 0 : i32
        %lt3A_1489 = arith.cmpi slt, %select_n3A_1482, %lt3A_1488 : i32
        %ne3A_1490 = arith.xori %lt3A_1487, %lt3A_1489 : i1
        %and3A_1491 = arith.andi %ne3A_1490, %ne3A_1485 : i1
        %add3A_1492 = arith.addi %rem3A_1483, %select_n3A_1482 : i32
        %select_n3A_1493 = arith.select %and3A_1491, %add3A_1492, %rem3A_1483 : i32
        %ne3A_1494 = arith.cmpi ne, %add3A_1433, %add3A_1477 : i32
        %ne3A_1495 = arith.cmpi ne, %select_n3A_1449, %select_n3A_1493 : i32
        %or3A_1496 = arith.constant false
        %or3A_1497 = arith.ori %or3A_1496, %ne3A_1494 : i1
        %or3A_1498 = arith.ori %or3A_1497, %ne3A_1495 : i1
        %not3A_1499 = arith.constant true
        %not3A_1500 = arith.xori %eq3A_238, %not3A_1499 : i1
        %and3A_1501 = arith.andi %or3A_1498, %not3A_1500 : i1
        %convert_element_type3A_1502 = arith.extui %and3A_1501 : i1 to i32
        %cond3A_1503 = arith.constant 0 : i32
        %cond3A_1504 = arith.cmpi ne, %convert_element_type3A_1502, %cond3A_1503 : i32
        scf.if %cond3A_1504 {
        } else {
        }
        %and3A_1505 = arith.constant false
        %and3A_1506 = arith.andi %and3A_1501, %and3A_1505 : i1
        %ne3A_1507 = arith.cmpi ne, %add3A_241, %add3A_250 : i32
        %or3A_1508 = arith.constant false
        %or3A_1509 = arith.ori %or3A_1508, %ne3A_1507 : i1
        %or3A_1510 = arith.constant false
        %or3A_1511 = arith.ori %or3A_1509, %or3A_1510 : i1
        %not3A_1512 = arith.constant true
        %not3A_1513 = arith.xori %eq3A_238, %not3A_1512 : i1
        %and3A_1514 = arith.andi %or3A_1511, %not3A_1513 : i1
        %convert_element_type3A_1515 = arith.extui %and3A_1514 : i1 to i32
        %cond3A_1516 = arith.constant 0 : i32
        %cond3A_1517 = arith.cmpi ne, %convert_element_type3A_1515, %cond3A_1516 : i32
        scf.if %cond3A_1517 {
          "tpu.trace_start"() <{level = 10 : i32, message = "ep_wait_out"}> : () -> ()
          %rem3A_1721 = arith.constant 2 : i32
          %rem3A_1722 = arith.remui %scan3A_235, %rem3A_1721 : i32
          %mul3A_1723 = arith.constant 512 : i32
          %mul3A_1724 = arith.muli %mul3A_1723, %add3A_250 : i32
          %dma_wait3A_1725 = arith.constant 0 : i32
          %dma_wait3A_1726 = arith.constant 0 : i32
          %dma_wait3A_1727 = tpu.memref_slice %run_scoped3A_10[%rem3A_1722, %dma_wait3A_1725, %dma_wait3A_1726] : memref<2x512x64xf32, #tpu.memory_space<vmem>> -> memref<1x512x64xf32, #tpu.memory_space<vmem>>
          %dma_wait3A_1728 = tpu.memref_squeeze %dma_wait3A_1727 : memref<1x512x64xf32, #tpu.memory_space<vmem>> -> memref<512x64xf32, #tpu.memory_space<vmem>>
          %dma_wait3A_1729 = arith.constant 0 : i32
          %dma_wait3A_1730 = tpu.memref_slice %arg4[%mul3A_1724, %dma_wait3A_1729] : memref<819200x64xf32, #tpu.memory_space<hbm>> -> memref<512x64xf32, #tpu.memory_space<hbm>>
          %dma_wait3A_1731 = tpu.memref_slice %run_scoped3A_11[%rem3A_1722] : memref<2x!tpu.dma_semaphore, #tpu.memory_space<semaphore_mem>> -> memref<1x!tpu.dma_semaphore, #tpu.memory_space<semaphore_mem>>
          %dma_wait3A_1732 = tpu.memref_squeeze %dma_wait3A_1731 : memref<1x!tpu.dma_semaphore, #tpu.memory_space<semaphore_mem>> -> memref<!tpu.dma_semaphore, #tpu.memory_space<semaphore_mem>>
          %dma_wait3A_1733 = arith.constant 0 : i32
          %dma_wait3A_1734 = tpu.memref_slice %arg4[%mul3A_1724, %dma_wait3A_1733] : memref<819200x64xf32, #tpu.memory_space<hbm>> -> memref<512x64xf32, #tpu.memory_space<hbm>>
          %dma_wait3A_1735 = arith.constant 0 : i32
          %dma_wait3A_1736 = arith.constant 0 : i32
          %dma_wait3A_1737 = tpu.memref_slice %run_scoped3A_10[%rem3A_1722, %dma_wait3A_1735, %dma_wait3A_1736] : memref<2x512x64xf32, #tpu.memory_space<vmem>> -> memref<1x512x64xf32, #tpu.memory_space<vmem>>
          %dma_wait3A_1738 = tpu.memref_squeeze %dma_wait3A_1737 : memref<1x512x64xf32, #tpu.memory_space<vmem>> -> memref<512x64xf32, #tpu.memory_space<vmem>>
          tpu.wait_dma2 semaphore(%dma_wait3A_1732 : memref<!tpu.dma_semaphore, #tpu.memory_space<semaphore_mem>>) src(%dma_wait3A_1738 : memref<512x64xf32, #tpu.memory_space<vmem>>) dst(%dma_wait3A_1734 : memref<512x64xf32, #tpu.memory_space<hbm>>)
          "tpu.trace_stop"() : () -> ()
        } else {
        }
        %and3A_1518 = arith.constant true
        %and3A_1519 = arith.andi %and3A_1514, %and3A_1518 : i1
        %add3A_1520 = arith.constant 1 : i32
        %add3A_1521 = arith.addi %scan3A_235, %add3A_1520 : i32
        %select_n3A_1522 = arith.select %and3A_1519, %add3A_1521, %scan3A_235 : i32
        %jit3A_1523 = arith.constant 64 : i32
        %div3A_1524 = arith.divsi %add3A_241, %jit3A_1523 : i32
        %sign3A_1525 = arith.constant 0 : i32
        %sign3A_1526 = arith.cmpi sgt, %add3A_241, %sign3A_1525 : i32
        %sign3A_1527 = arith.extui %sign3A_1526 : i1 to i32
        %sign3A_1528 = arith.constant 0 : i32
        %sign3A_1529 = arith.cmpi slt, %add3A_241, %sign3A_1528 : i32
        %sign3A_1530 = arith.extui %sign3A_1529 : i1 to i32
        %sign3A_1531 = arith.subi %sign3A_1527, %sign3A_1530 : i32
        %sign3A_1532 = arith.constant 0 : i32
        %sign3A_1533 = arith.cmpi sgt, %jit3A_1523, %sign3A_1532 : i32
        %sign3A_1534 = arith.extui %sign3A_1533 : i1 to i32
        %sign3A_1535 = arith.constant 0 : i32
        %sign3A_1536 = arith.cmpi slt, %jit3A_1523, %sign3A_1535 : i32
        %sign3A_1537 = arith.extui %sign3A_1536 : i1 to i32
        %sign3A_1538 = arith.subi %sign3A_1534, %sign3A_1537 : i32
        %ne3A_1539 = arith.cmpi ne, %sign3A_1531, %sign3A_1538 : i32
        %rem3A_1540 = arith.remsi %add3A_241, %jit3A_1523 : i32
        %ne3A_1541 = arith.constant 0 : i32
        %ne3A_1542 = arith.cmpi ne, %rem3A_1540, %ne3A_1541 : i32
        %and3A_1543 = arith.andi %ne3A_1539, %ne3A_1542 : i1
        %sub3A_1544 = arith.constant 1 : i32
        %sub3A_1545 = arith.subi %div3A_1524, %sub3A_1544 : i32
        %select_n3A_1546 = arith.select %and3A_1543, %sub3A_1545, %div3A_1524 : i32
        %mul3A_1547 = arith.constant 2 : i32
        %mul3A_1548 = arith.muli %mul3A_1547, %select_n3A_1546 : i32
        %jit3A_1549 = arith.constant 64 : i32
        %eq3A_1550 = arith.constant 0 : i32
        %eq3A_1551 = arith.cmpi eq, %jit3A_1549, %eq3A_1550 : i32
        %jit3A_1552 = arith.constant 1 : i32
        %select_n3A_1553 = arith.select %eq3A_1551, %jit3A_1552, %jit3A_1549 : i32
        %rem3A_1554 = arith.remsi %add3A_241, %select_n3A_1553 : i32
        %ne3A_1555 = arith.constant 0 : i32
        %ne3A_1556 = arith.cmpi ne, %rem3A_1554, %ne3A_1555 : i32
        %lt3A_1557 = arith.constant 0 : i32
        %lt3A_1558 = arith.cmpi slt, %rem3A_1554, %lt3A_1557 : i32
        %lt3A_1559 = arith.constant 0 : i32
        %lt3A_1560 = arith.cmpi slt, %select_n3A_1553, %lt3A_1559 : i32
        %ne3A_1561 = arith.xori %lt3A_1558, %lt3A_1560 : i1
        %and3A_1562 = arith.andi %ne3A_1561, %ne3A_1556 : i1
        %add3A_1563 = arith.addi %rem3A_1554, %select_n3A_1553 : i32
        %select_n3A_1564 = arith.select %and3A_1562, %add3A_1563, %rem3A_1554 : i32
        %jit3A_1565 = arith.constant 64 : i32
        %div3A_1566 = arith.divsi %add3A_259, %jit3A_1565 : i32
        %sign3A_1567 = arith.constant 0 : i32
        %sign3A_1568 = arith.cmpi sgt, %add3A_259, %sign3A_1567 : i32
        %sign3A_1569 = arith.extui %sign3A_1568 : i1 to i32
        %sign3A_1570 = arith.constant 0 : i32
        %sign3A_1571 = arith.cmpi slt, %add3A_259, %sign3A_1570 : i32
        %sign3A_1572 = arith.extui %sign3A_1571 : i1 to i32
        %sign3A_1573 = arith.subi %sign3A_1569, %sign3A_1572 : i32
        %sign3A_1574 = arith.constant 0 : i32
        %sign3A_1575 = arith.cmpi sgt, %jit3A_1565, %sign3A_1574 : i32
        %sign3A_1576 = arith.extui %sign3A_1575 : i1 to i32
        %sign3A_1577 = arith.constant 0 : i32
        %sign3A_1578 = arith.cmpi slt, %jit3A_1565, %sign3A_1577 : i32
        %sign3A_1579 = arith.extui %sign3A_1578 : i1 to i32
        %sign3A_1580 = arith.subi %sign3A_1576, %sign3A_1579 : i32
        %ne3A_1581 = arith.cmpi ne, %sign3A_1573, %sign3A_1580 : i32
        %rem3A_1582 = arith.remsi %add3A_259, %jit3A_1565 : i32
        %ne3A_1583 = arith.constant 0 : i32
        %ne3A_1584 = arith.cmpi ne, %rem3A_1582, %ne3A_1583 : i32
        %and3A_1585 = arith.andi %ne3A_1581, %ne3A_1584 : i1
        %sub3A_1586 = arith.constant 1 : i32
        %sub3A_1587 = arith.subi %div3A_1566, %sub3A_1586 : i32
        %select_n3A_1588 = arith.select %and3A_1585, %sub3A_1587, %div3A_1566 : i32
        %mul3A_1589 = arith.constant 2 : i32
        %mul3A_1590 = arith.muli %mul3A_1589, %select_n3A_1588 : i32
        %jit3A_1591 = arith.constant 64 : i32
        %eq3A_1592 = arith.constant 0 : i32
        %eq3A_1593 = arith.cmpi eq, %jit3A_1591, %eq3A_1592 : i32
        %jit3A_1594 = arith.constant 1 : i32
        %select_n3A_1595 = arith.select %eq3A_1593, %jit3A_1594, %jit3A_1591 : i32
        %rem3A_1596 = arith.remsi %add3A_259, %select_n3A_1595 : i32
        %ne3A_1597 = arith.constant 0 : i32
        %ne3A_1598 = arith.cmpi ne, %rem3A_1596, %ne3A_1597 : i32
        %lt3A_1599 = arith.constant 0 : i32
        %lt3A_1600 = arith.cmpi slt, %rem3A_1596, %lt3A_1599 : i32
        %lt3A_1601 = arith.constant 0 : i32
        %lt3A_1602 = arith.cmpi slt, %select_n3A_1595, %lt3A_1601 : i32
        %ne3A_1603 = arith.xori %lt3A_1600, %lt3A_1602 : i1
        %and3A_1604 = arith.andi %ne3A_1603, %ne3A_1598 : i1
        %add3A_1605 = arith.addi %rem3A_1596, %select_n3A_1595 : i32
        %select_n3A_1606 = arith.select %and3A_1604, %add3A_1605, %rem3A_1596 : i32
        %ne3A_1607 = arith.cmpi ne, %mul3A_1548, %mul3A_1590 : i32
        %ne3A_1608 = arith.cmpi ne, %select_n3A_1564, %select_n3A_1606 : i32
        %or3A_1609 = arith.constant false
        %or3A_1610 = arith.ori %or3A_1609, %ne3A_1607 : i1
        %or3A_1611 = arith.ori %or3A_1610, %ne3A_1608 : i1
        %or3A_1612 = arith.ori %or3A_1611, %eq3A_240 : i1
        %add3A_1613 = arith.constant 1 : i32
        %add3A_1614 = arith.addi %scan3A_231, %add3A_1613 : i32
        %select_n3A_1615 = arith.select %or3A_1612, %add3A_1614, %scan3A_231 : i32
        %jit3A_1616 = arith.constant 64 : i32
        %div3A_1617 = arith.divsi %add3A_241, %jit3A_1616 : i32
        %sign3A_1618 = arith.constant 0 : i32
        %sign3A_1619 = arith.cmpi sgt, %add3A_241, %sign3A_1618 : i32
        %sign3A_1620 = arith.extui %sign3A_1619 : i1 to i32
        %sign3A_1621 = arith.constant 0 : i32
        %sign3A_1622 = arith.cmpi slt, %add3A_241, %sign3A_1621 : i32
        %sign3A_1623 = arith.extui %sign3A_1622 : i1 to i32
        %sign3A_1624 = arith.subi %sign3A_1620, %sign3A_1623 : i32
        %sign3A_1625 = arith.constant 0 : i32
        %sign3A_1626 = arith.cmpi sgt, %jit3A_1616, %sign3A_1625 : i32
        %sign3A_1627 = arith.extui %sign3A_1626 : i1 to i32
        %sign3A_1628 = arith.constant 0 : i32
        %sign3A_1629 = arith.cmpi slt, %jit3A_1616, %sign3A_1628 : i32
        %sign3A_1630 = arith.extui %sign3A_1629 : i1 to i32
        %sign3A_1631 = arith.subi %sign3A_1627, %sign3A_1630 : i32
        %ne3A_1632 = arith.cmpi ne, %sign3A_1624, %sign3A_1631 : i32
        %rem3A_1633 = arith.remsi %add3A_241, %jit3A_1616 : i32
        %ne3A_1634 = arith.constant 0 : i32
        %ne3A_1635 = arith.cmpi ne, %rem3A_1633, %ne3A_1634 : i32
        %and3A_1636 = arith.andi %ne3A_1632, %ne3A_1635 : i1
        %sub3A_1637 = arith.constant 1 : i32
        %sub3A_1638 = arith.subi %div3A_1617, %sub3A_1637 : i32
        %select_n3A_1639 = arith.select %and3A_1636, %sub3A_1638, %div3A_1617 : i32
        %mul3A_1640 = arith.constant 2 : i32
        %mul3A_1641 = arith.muli %mul3A_1640, %select_n3A_1639 : i32
        %add3A_1642 = arith.constant 1 : i32
        %add3A_1643 = arith.addi %mul3A_1641, %add3A_1642 : i32
        %jit3A_1644 = arith.constant 64 : i32
        %eq3A_1645 = arith.constant 0 : i32
        %eq3A_1646 = arith.cmpi eq, %jit3A_1644, %eq3A_1645 : i32
        %jit3A_1647 = arith.constant 1 : i32
        %select_n3A_1648 = arith.select %eq3A_1646, %jit3A_1647, %jit3A_1644 : i32
        %rem3A_1649 = arith.remsi %add3A_241, %select_n3A_1648 : i32
        %ne3A_1650 = arith.constant 0 : i32
        %ne3A_1651 = arith.cmpi ne, %rem3A_1649, %ne3A_1650 : i32
        %lt3A_1652 = arith.constant 0 : i32
        %lt3A_1653 = arith.cmpi slt, %rem3A_1649, %lt3A_1652 : i32
        %lt3A_1654 = arith.constant 0 : i32
        %lt3A_1655 = arith.cmpi slt, %select_n3A_1648, %lt3A_1654 : i32
        %ne3A_1656 = arith.xori %lt3A_1653, %lt3A_1655 : i1
        %and3A_1657 = arith.andi %ne3A_1656, %ne3A_1651 : i1
        %add3A_1658 = arith.addi %rem3A_1649, %select_n3A_1648 : i32
        %select_n3A_1659 = arith.select %and3A_1657, %add3A_1658, %rem3A_1649 : i32
        %jit3A_1660 = arith.constant 64 : i32
        %div3A_1661 = arith.divsi %add3A_259, %jit3A_1660 : i32
        %sign3A_1662 = arith.constant 0 : i32
        %sign3A_1663 = arith.cmpi sgt, %add3A_259, %sign3A_1662 : i32
        %sign3A_1664 = arith.extui %sign3A_1663 : i1 to i32
        %sign3A_1665 = arith.constant 0 : i32
        %sign3A_1666 = arith.cmpi slt, %add3A_259, %sign3A_1665 : i32
        %sign3A_1667 = arith.extui %sign3A_1666 : i1 to i32
        %sign3A_1668 = arith.subi %sign3A_1664, %sign3A_1667 : i32
        %sign3A_1669 = arith.constant 0 : i32
        %sign3A_1670 = arith.cmpi sgt, %jit3A_1660, %sign3A_1669 : i32
        %sign3A_1671 = arith.extui %sign3A_1670 : i1 to i32
        %sign3A_1672 = arith.constant 0 : i32
        %sign3A_1673 = arith.cmpi slt, %jit3A_1660, %sign3A_1672 : i32
        %sign3A_1674 = arith.extui %sign3A_1673 : i1 to i32
        %sign3A_1675 = arith.subi %sign3A_1671, %sign3A_1674 : i32
        %ne3A_1676 = arith.cmpi ne, %sign3A_1668, %sign3A_1675 : i32
        %rem3A_1677 = arith.remsi %add3A_259, %jit3A_1660 : i32
        %ne3A_1678 = arith.constant 0 : i32
        %ne3A_1679 = arith.cmpi ne, %rem3A_1677, %ne3A_1678 : i32
        %and3A_1680 = arith.andi %ne3A_1676, %ne3A_1679 : i1
        %sub3A_1681 = arith.constant 1 : i32
        %sub3A_1682 = arith.subi %div3A_1661, %sub3A_1681 : i32
        %select_n3A_1683 = arith.select %and3A_1680, %sub3A_1682, %div3A_1661 : i32
        %mul3A_1684 = arith.constant 2 : i32
        %mul3A_1685 = arith.muli %mul3A_1684, %select_n3A_1683 : i32
        %add3A_1686 = arith.constant 1 : i32
        %add3A_1687 = arith.addi %mul3A_1685, %add3A_1686 : i32
        %jit3A_1688 = arith.constant 64 : i32
        %eq3A_1689 = arith.constant 0 : i32
        %eq3A_1690 = arith.cmpi eq, %jit3A_1688, %eq3A_1689 : i32
        %jit3A_1691 = arith.constant 1 : i32
        %select_n3A_1692 = arith.select %eq3A_1690, %jit3A_1691, %jit3A_1688 : i32
        %rem3A_1693 = arith.remsi %add3A_259, %select_n3A_1692 : i32
        %ne3A_1694 = arith.constant 0 : i32
        %ne3A_1695 = arith.cmpi ne, %rem3A_1693, %ne3A_1694 : i32
        %lt3A_1696 = arith.constant 0 : i32
        %lt3A_1697 = arith.cmpi slt, %rem3A_1693, %lt3A_1696 : i32
        %lt3A_1698 = arith.constant 0 : i32
        %lt3A_1699 = arith.cmpi slt, %select_n3A_1692, %lt3A_1698 : i32
        %ne3A_1700 = arith.xori %lt3A_1697, %lt3A_1699 : i1
        %and3A_1701 = arith.andi %ne3A_1700, %ne3A_1695 : i1
        %add3A_1702 = arith.addi %rem3A_1693, %select_n3A_1692 : i32
        %select_n3A_1703 = arith.select %and3A_1701, %add3A_1702, %rem3A_1693 : i32
        %ne3A_1704 = arith.cmpi ne, %add3A_1643, %add3A_1687 : i32
        %ne3A_1705 = arith.cmpi ne, %select_n3A_1659, %select_n3A_1703 : i32
        %or3A_1706 = arith.constant false
        %or3A_1707 = arith.ori %or3A_1706, %ne3A_1704 : i1
        %or3A_1708 = arith.ori %or3A_1707, %ne3A_1705 : i1
        %or3A_1709 = arith.ori %or3A_1708, %eq3A_240 : i1
        %add3A_1710 = arith.constant 1 : i32
        %add3A_1711 = arith.addi %scan3A_233, %add3A_1710 : i32
        %select_n3A_1712 = arith.select %or3A_1709, %add3A_1711, %scan3A_233 : i32
        %add3A_1713 = arith.constant 1 : i32
        %add3A_1714 = arith.addi %scan3A_236, %add3A_1713 : i32
        %select_n3A_1715 = arith.constant true
        %select_n3A_1716 = arith.select %select_n3A_1715, %add3A_1714, %scan3A_236 : i32
        %eq3A_1717 = arith.constant 50 : i32
        %eq3A_1718 = arith.cmpi eq, %select_n3A_1716, %eq3A_1717 : i32
        %select_n3A_1719 = arith.constant 0 : i32
        %select_n3A_1720 = arith.select %eq3A_1718, %select_n3A_1719, %select_n3A_1716 : i32
        scf.yield %select_n3A_365, %select_n3A_1615, %select_n3A_471, %select_n3A_1712, %select_n3A_1308, %select_n3A_1522, %select_n3A_1720 : i32, i32, i32, i32, i32, i32, i32
      }
      %scan3A_175 = arith.constant 50 : i32
      %sub3A_176 = arith.constant 1 : i32
      %sub3A_177 = arith.subi %scan3A_174#6, %sub3A_176 : i32
      %select_n3A_178 = arith.constant true
      %select_n3A_179 = arith.select %select_n3A_178, %sub3A_177, %scan3A_174#6 : i32
      %eq3A_180 = arith.constant -1 : i32
      %eq3A_181 = arith.cmpi eq, %select_n3A_179, %eq3A_180 : i32
      %select_n3A_182 = arith.constant 49 : i32
      %select_n3A_183 = arith.select %eq3A_181, %select_n3A_182, %select_n3A_179 : i32
      %add3A_184 = arith.addi %select_n3A_183, %mul3A_6 : i32
      %sub3A_185 = arith.constant 1 : i32
      %sub3A_186 = arith.subi %select_n3A_183, %sub3A_185 : i32
      %select_n3A_187 = arith.constant true
      %select_n3A_188 = arith.select %select_n3A_187, %sub3A_186, %select_n3A_183 : i32
      %eq3A_189 = arith.constant -1 : i32
      %eq3A_190 = arith.cmpi eq, %select_n3A_188, %eq3A_189 : i32
      %select_n3A_191 = arith.constant 49 : i32
      %select_n3A_192 = arith.select %eq3A_190, %select_n3A_191, %select_n3A_188 : i32
      %add3A_193 = arith.addi %select_n3A_192, %mul3A_6 : i32
      %add3A_194 = arith.constant 1 : i32
      %add3A_195 = arith.addi %select_n3A_183, %add3A_194 : i32
      %select_n3A_196 = arith.constant true
      %select_n3A_197 = arith.select %select_n3A_196, %add3A_195, %select_n3A_183 : i32
      %eq3A_198 = arith.constant 50 : i32
      %eq3A_199 = arith.cmpi eq, %select_n3A_197, %eq3A_198 : i32
      %select_n3A_200 = arith.constant 0 : i32
      %select_n3A_201 = arith.select %eq3A_199, %select_n3A_200, %select_n3A_197 : i32
      %add3A_202 = arith.addi %select_n3A_201, %mul3A_6 : i32
      %add3A_203 = arith.constant 1 : i32
      %add3A_204 = arith.addi %select_n3A_201, %add3A_203 : i32
      %select_n3A_205 = arith.constant true
      %select_n3A_206 = arith.select %select_n3A_205, %add3A_204, %select_n3A_201 : i32
      %eq3A_207 = arith.constant 50 : i32
      %eq3A_208 = arith.cmpi eq, %select_n3A_206, %eq3A_207 : i32
      %select_n3A_209 = arith.constant 0 : i32
      %select_n3A_210 = arith.select %eq3A_208, %select_n3A_209, %select_n3A_206 : i32
      %add3A_211 = arith.addi %select_n3A_210, %mul3A_6 : i32
      "tpu.trace_start"() <{level = 10 : i32, message = "ep_finalize"}> : () -> ()
      %rem3A_212 = arith.constant 2 : i32
      %rem3A_213 = arith.remui %scan3A_174#5, %rem3A_212 : i32
      %mul3A_214 = arith.constant 512 : i32
      %mul3A_215 = arith.muli %mul3A_214, %add3A_184 : i32
      %dma_wait3A = arith.constant 0 : i32
      %dma_wait3A_216 = arith.constant 0 : i32
      %dma_wait3A_217 = tpu.memref_slice %run_scoped3A_10[%rem3A_213, %dma_wait3A, %dma_wait3A_216] : memref<2x512x64xf32, #tpu.memory_space<vmem>> -> memref<1x512x64xf32, #tpu.memory_space<vmem>>
      %dma_wait3A_218 = tpu.memref_squeeze %dma_wait3A_217 : memref<1x512x64xf32, #tpu.memory_space<vmem>> -> memref<512x64xf32, #tpu.memory_space<vmem>>
      %dma_wait3A_219 = arith.constant 0 : i32
      %dma_wait3A_220 = tpu.memref_slice %arg4[%mul3A_215, %dma_wait3A_219] : memref<819200x64xf32, #tpu.memory_space<hbm>> -> memref<512x64xf32, #tpu.memory_space<hbm>>
      %dma_wait3A_221 = tpu.memref_slice %run_scoped3A_11[%rem3A_213] : memref<2x!tpu.dma_semaphore, #tpu.memory_space<semaphore_mem>> -> memref<1x!tpu.dma_semaphore, #tpu.memory_space<semaphore_mem>>
      %dma_wait3A_222 = tpu.memref_squeeze %dma_wait3A_221 : memref<1x!tpu.dma_semaphore, #tpu.memory_space<semaphore_mem>> -> memref<!tpu.dma_semaphore, #tpu.memory_space<semaphore_mem>>
      %dma_wait3A_223 = arith.constant 0 : i32
      %dma_wait3A_224 = tpu.memref_slice %arg4[%mul3A_215, %dma_wait3A_223] : memref<819200x64xf32, #tpu.memory_space<hbm>> -> memref<512x64xf32, #tpu.memory_space<hbm>>
      %dma_wait3A_225 = arith.constant 0 : i32
      %dma_wait3A_226 = arith.constant 0 : i32
      %dma_wait3A_227 = tpu.memref_slice %run_scoped3A_10[%rem3A_213, %dma_wait3A_225, %dma_wait3A_226] : memref<2x512x64xf32, #tpu.memory_space<vmem>> -> memref<1x512x64xf32, #tpu.memory_space<vmem>>
      %dma_wait3A_228 = tpu.memref_squeeze %dma_wait3A_227 : memref<1x512x64xf32, #tpu.memory_space<vmem>> -> memref<512x64xf32, #tpu.memory_space<vmem>>
      tpu.wait_dma2 semaphore(%dma_wait3A_222 : memref<!tpu.dma_semaphore, #tpu.memory_space<semaphore_mem>>) src(%dma_wait3A_228 : memref<512x64xf32, #tpu.memory_space<vmem>>) dst(%dma_wait3A_224 : memref<512x64xf32, #tpu.memory_space<hbm>>)
      "tpu.trace_stop"() : () -> ()
      tpu.yield
    }) : () -> ()
    return
  }
}

</mosaic_0001>

<sc_bundles>
// kernel: sparse-core-data-format-call.cloned.1.call-start
scs
called_computation_lowered:
.L_overlay_start_0:
0x0: {  	s2 =	sld [smem:$0x3FD9]  }
0x1: {  	s3 =	sld [smem:$0x3FFE];
	_ =	sdelay $0x1  }
0x2: {  	s1 =	srdreg.scid  }
0x3: {  	s0 =	sand.u32 $0x1, s1  }
0x4: {  	s18 =	sshll.u32 s0, $0xA;
	s2 =	sadd.s32 s3, s2  }
0x5: {  	s2 =	sadd.s32 s2, s18  }
0x6: {  	[smem:$0x3FC6] =	sst s2  }
0x7: {  	_ = 	snop  }
0x8: {  	s2 =	sld [smem:$0x3FD0];
	(tm) =	ssettm $0x1  }
0x9: {  	s19 =	sld [smem:$0x3FFB];
	_ =	sdelay $0x3  }
0xa: {  	_ =	strace s19  }
0xb: {  	s3 =	sld [smem:$0x3FFC];
	_ =	sdelay $0x3  }
0xc: {  	_ =	strace s3  }
0xd: {  	s3 =	sld [smem:$0x3FFD];
	_ =	sdelay $0x3  }
0xe: {  	_ =	strace s3  }
0xf: {  	_ =	strace $0x8FFFFFFF  }
0x10: {  	s20 =	sld [smem:$0x3FDB];
	_ =	sdelay $0x1  }
0x11: {  	s4 =	simm.s32 $_scs_section_size  }
0x12: {  	s5 =	simm.s32 $_size__tile_overlayer_lowered;
	s6 =	simm.s32 $_tile_overlayer_lowered  }
0x13: {  	s23 =	simm.s32 $0x1BFF;
	s22 =	sshll.u32 s6, $0x1;
	s3 =	sadd.s32 s4, s20  }
0x14: {  	s7 =	simm.s32 $0x0;
	s21 =	sshll.u32 s5, $0x1;
	s5 =	sadd.s32 s22, s3  }
0x15: {  	[timem:s7], [sflag:s23] =	dma.local [hbm:s5], s21  }
0x16: {  	_ =	swait.ge [sflag:s23], s21  }
0x17: {  	s4 =	ssub.s32 $0x0, s21;
	[sflag:s23] =	ssyncset.done $0x0  }
0x18: {  	[sflag:s23] =	ssyncadd.s32 s4;
	_ =	sdelay $0x1  }
0x19: {  	s24 =	simm.s32 $0x1B8B  }
0x1a: {  	_ =	swait.ge [sflag:s24], $0x1  }
0x1b: {  	[sflag:s24] =	ssyncset.done $0x0  }
0x1c: {  	s26 =	simm.s32 $0x1B8E;
	s25 =	sld [smem:$0x3FFE];
	[sflag:s24] =	ssyncadd.s32 $0xFFFFFFFF  }
0x1d: {  	s27 =	simm.s32 $execute0_lowered;
	[smem:$0x3FD2] =	sst s26  }
0x1e: {  	s5 =	sshll.u32 s27, $0x1;
	_ =	strace $0x80000052;
	[dreg:$0x1] =	wrdreg $0xFFFFFFFF  }
0x1f: {  	s28 =	simm.s32 $_size_execute0_lowered;
	s3 =	sadd.s32 s3, s5;
	[dreg:$0x0] =	wrdreg $0x0  }
0x20: {  	s5 =	sshll.u32 s28, $0x1;
	[dreg:$0x2] =	wrdreg s3  }
0x21: {  	[dreg:$0x3] =	wrdreg s5  }
0x22: {  	[dreg:$0x4] =	wrdreg $0xC0  }
0x23: {  	_ =	task [dreg:s7], $0x5FFFF  }
0x24: {  	[dreg:$0x1] =	wrdreg $0xFFFFFFFF  }
0x25: {  	[dreg:$0x0] =	wrdreg $0x60  }
0x26: {  	[dreg:$0x2] =	wrdreg s25  }
0x27: {  	[dreg:$0x3] =	wrdreg s2  }
0x28: {  	[dreg:$0x4] =	wrdreg $0x9  }
0x29: {  	_ =	task.clear_ibuf [dreg:s7], $0x5FFFF;
	_ =	strace $0x90000052  }
0x2a: {  	s29 =	simm.s32 $0x9;
	_ =	strace $0x80000054  }
0x2b: {  	_ =	swait.ge [sflag:s29], $0x1  }
0x2c: {  	[sflag:s29] =	ssyncadd.s32 $0xFFFFFFFF  }
0x2d: {  	_ =	strace $0x90000054  }
0x2e: {  	_ =	sfence  }
0x2f: {  	s30 =	sld [smem:$0x0];
	_ =	sdelay $0x2  }
0x30: {  	s31 =	sshll.u32 s1, $0xD;
	s1 =	sshrl.u32 s1, $0x2  }
0x31: {  	s3 =	sand.u32 $0x4000, s31;
	s1 =	sadd.s32 s1, s30  }
0x32: {  	s0 =	sor.u32 s3, s0;
	s1 =	sshll.u32 s1, $0x11  }
0x33: {  	s0 =	sor.u32 s1, s0  }
0x34: {  	s0 =	sadd.s32 $0x8F2B, s0  }
0x35: {  	[sflag:s0] =	ssyncadd.remote.s32 $0x1  }
0x36: {  	_ =	sfence.sel $0xFFFF  }
0x37: {  	[dreg:$0x0] =	wrdreg $0xFFFFFFFF;
	(pc) =	sbr.abs _section_cstart, $3  }
0x38: {  	[dreg:$0x1] =	wrdreg $0xFFFFFFFF  }
0x39: {  	_ =	task.clear_ibuf [dreg:s7], $0x2FFFF;
	_ =	strace $0x9FFFFFFF  }
0x3a: {  	(tm) =	ssettm $0x7FFFFFFF  }
0x3b: {  	_ =	shalt  }
tec
execute0_lowered:
.L_overlay_start_1:
0x0: {  	(tag) =	ssettag $0x1  }
0x1: {  	s0 =	srdreg.scid  }
0x2: {  	s1 =	sshll.u32 s0, $0x4  }
0x3: {  	s4 =	rddreg [dreg:$0x0];
	s0 =	stileid.u32;
	s1 =	sand.u32 $0x10, s1  }
0x4: {  	s2 =	rddreg [dreg:$0x1];
	s7 =	simm.s32 $0x1;
	s1 =	sor.u32 s0, s1  }
0x5: {  	s8 =	simm.s32 $0x2;
	s11 =	simm.s32 $0x0;
	s3 =	sshll.u32 s1, $0x7  }
0x6: {  	s10 =	simm.s32 $0x0;
	s4 =	sadd.s32 $0xA00, s4;
	s6 =	ssub.s32 $0xC8000, s3  }
.Ltmp0:
0x7: {  	s1 =	rddreg [dreg:$0x2];
	s5 =	sand.u32 $0xF80, s6;
	(pc) =	sbr.rel .LBB1_1-.Ltmp0, $4  }
0x8: {  	_ =	strace $0x80000053;
	s9 =	smov.u32 s3;
	p0 =	sne.s32 s5, $0x0  }
0x9: {  	s6 =	sshrl.u32 s6, $0xC;
	s5 =	simm.s32 $0x1;
	s7 =	simm.s32 @!p0 $0x0  }
0xa: {  	[sflag:s5] =	ssyncpa.u1 $0x0;
	p0 =	por $0x0, $0x0;
	s6 =	sadd.s32 s7, s6  }
0xb: {  	[sflag:s8] =	ssyncpa.u1 $0x0;
	s8 =	simm.s32 $0x640000;
	s7 =	sadd.s32 $0x1, s6  }
.LBB1_4:
0xc: {  	s14 =	sshll.u32 s11, $0x3  }
0xd: {  	s30 =	sand.u32 $0x7F, s11;
	s15 =	sand.u32 $0xFFFFFC00, s14  }
0xe: {  	s11 =	sor.u32 s30, s15  }
0xf: {  	s15 =	smulhi.u32 $0x51EB851F, s11  }
0x10: {  	s14 =	smulhi.u32 $0x51EB851F, s14  }
0x11: {  	s15 =	sshrl.u32 s15, $0x12  }
0x12: {  	s14 =	sshrl.u32 s14, $0x12;
	s15 =	smul.u32 $0xC8000, s15  }
0x13: {  	s14 =	sand.u32 $0x3F, s14  }
0x14: {  	s14 =	smul.u32 $0x19000, s14;
	s11 =	ssub.s32 s11, s15  }
0x15: {  	[tilespmem:s13+$0x810 ss:$0x81] =	vst.msk $0xffff, v2;
	s15 =	sand.u32 $0x7, s11  }
0x16: {  	[tilespmem:s13+$0x1020 ss:$0x81] =	vst.msk $0xffff, v0;
	s14 =	sadd.s32 s2, s14;
	s11 =	sshrl.u32 s11, $0x3;
	s15 =	sshll.u32 s15, $0x12  }
0x17: {  	[tilespmem:s13+$0x0 ss:$0x81] =	vst.msk $0xffff, v1;
	s11 =	sadd.s32 s11, s14;
	s31 =	sor.u32 $0x400, s15  }
0x18: {  	[hbm4b:s11+s31] =	stream.strided.scatter [tilespmem:s12], [sflag:$0x2], $0x2000, s8, s31, $0x20;
	[tilespmem:$0x8080] =	vst v63  }
.LBB1_5:
0x19: {  	s13 =	sadd.s32 $0x1000, s9  }
0x1a: {  	p2 =	sgt.s32 s13, $0xC7FFF  }
0x1b: {  	s13 =	smov.u32 @p2 s3;
	p2 =	sne.s32 s10, s7  }
.Ltmp1:
0x1c: {  	p1 =	slt.u32 s10, $0x2;
	(pc) =	sbr.rel @!p2 .LBB1_6-.Ltmp1, $4  }
0x1d: {  	s12 =	simm.s32 @!p1 $0x2  }
0x1e: {  	s14 =	sadd.s32 $0x1, s10;
	_ =	swait.ge @!p1 [sflag:s12], $0x2000  }
0x1f: {  	s11 =	smov.u32 s9;
	p0 =	por !p0, !p0;
	[sflag:s12] =	ssyncset.done @!p1 $0x0  }
0x20: {  	s10 =	smov.u32 s14;
	s9 =	smov.u32 s13;
	[sflag:s12] =	ssyncadd.s32 @!p1 $0xFFFFE000  }
.LBB1_1:
0x21: {  	p1 =	sge.u32 s10, s6  }
0x22: {  	s12 =	sand.u32 @!p1 $0x1FFFFFF, s9  }
0x23: {  	s13 =	smulhi.u32 @!p1 $0x147AE15, s12;
	_ =	sdelay $0x1  }
0x24: {  	s13 =	sshrl.u32 @!p1 s13, $0xC  }
0x25: {  	s13 =	smul.u32 @!p1 $0xC8000, s13;
	_ =	sdelay $0x1  }
0x26: {  	s31 =	sadd.s32 $0xFFFFFFFF, s10;
	s14 =	sxor.u32 @!p1 $0xFFFFFFFF, s10;
	s12 =	ssub.s32 @!p1 s12, s13  }
0x27: {  	s15 =	simm.s32 @!p1 $0x80;
	s14 =	sshll.u32 @!p1 s14, $0xD;
	s12 =	sshll.u32 @!p1 s12, $0x4  }
0x28: {  	s13 =	sand.u32 @!p1 $0x2000, s14;
	s14 =	simm.s32 @!p1 $0x40;
	s12 =	sadd.s32 @!p1 s4, s12  }
0x29: {  	[tilespmem:s13], [sflag:$0x1] =	stream.strided.gather @!p1 [hbm4b:s12+s14], $0x2000, s15, s14, $0x38;
	[tilespmem:$0x8080] =	vst v63  }
0x2a: {  	p1 =	sge.u32 s31, s6  }
.Ltmp2:
0x2b: {  	_ = 	snop;
	(pc) =	sbr.rel @p1 .LBB1_5-.Ltmp2, $1  }
0x2c: {  	_ =	sdelay $0x3  }
0x2d: {  	s12 =	simm.s32 $0x1  }
0x2e: {  	_ =	swait.ge [sflag:s5], $0x2000;
	s12 =	simm.s32 @!p0 $0x0  }
0x2f: {  	[sflag:s5] =	ssyncset.done $0x0;
	s13 =	sshll.u32 s12, $0xD  }
0x30: {  	[sflag:s5] =	ssyncadd.s32 $0xFFFFE000;
	s16 =	sor.u32 $0x20, s13  }
0x31: {  	s12 =	smul.u32 $0x8100, s12;
	v3 =	vld [tilespmem:s16+$0x10]  }
0x32: {  	s30 =	sand.u32 $0x1, s10;
	v2 =	vld [tilespmem:s16+$0xFFFFFFF0]  }
0x33: {  	s13 =	smul.u32 $0x8100, s30;
	s12 =	sshrl.u32 s12, $0x2;
	v0 =	vld [tilespmem:s16+$0x0]  }
0x34: {  	v1 =	vld [tilespmem:s16+$0xFFFFFFE0];
	s14 =	sor.u32 $0x4000, s12  }
0x35: {  	s31 =	sshrl.u32 s13, $0x2;
	s13 =	sadd.s32 $0x0, s14  }
0x36: {  	s15 =	simm.s32 $0x4;
	s16 =	sadd.s32 $0x40, s16;
	s12 =	sor.u32 $0x4000, s31;
	[tilespmem:s13+$0x1830 ss:$0x81] =	vst.msk $0xffff, v3  }
.LBB1_3:
0x37: {  	v3 =	vld [tilespmem:s16+$0x10];
	p1 =	sne.s32 s15, $0x1FC;
	[tilespmem:s13+$0x810 ss:$0x81] =	vst.msk $0xffff, v2;
	s17 =	smov.u32 s15;
	s15 =	sadd.s32 $0x4, s15  }
.Ltmp3:
0x38: {  	v2 =	vld [tilespmem:s16+$0xFFFFFFF0];
	[tilespmem:s13+$0x1020 ss:$0x81] =	vst.msk $0xffff, v0;
	(pc) =	sbr.rel @p1 .LBB1_3-.Ltmp3, $4  }
0x39: {  	v0 =	vld [tilespmem:s16+$0x0];
	[tilespmem:s13+$0x0 ss:$0x81] =	vst.msk $0xffff, v1  }
0x3a: {  	s13 =	sshra.s32 s17, $0x2;
	v1 =	vld [tilespmem:s16+$0xFFFFFFE0]  }
0x3b: {  	s13 =	sadd.s32 s13, s14  }
0x3c: {  	s16 =	sadd.s32 $0x40, s16;
	[tilespmem:s13+$0x1830 ss:$0x81] =	vst.msk $0xffff, v3  }
.Ltmp4:
0x3d: {  	_ = 	snop;
	(pc) =	sbr.rel .LBB1_4-.Ltmp4, $1  }
0x3e: {  	_ =	sdelay $0x3  }
.LBB1_6:
0x3f: {  	_ =	sfence.sel $0x180000  }
0x40: {  	s2 =	simm.s32 $0x1;
	[bflag:$0x0] =	sbarrier.arrive $0xFFFF  }
0x41: {  	s31 =	simm.s32 $0x2;
	[sflag:s2] =	ssyncpa.u1 $0x1  }
0x42: {  	[sflag:s31] =	ssyncpa.u1 $0x1  }
0x43: {  	p0 =	sne.s32 s0, $0x0;
	_ =	strace $0x90000053  }
0x44: {  	s0 =	sadd.s32 @!p0 $0x100000, s1;
	[bflag:$0x2] =	sbarrier.arrive $0xFFFF  }
0x45: {  	[sflag:s0] =	ssyncadd.tile.s32 @!p0 $0x1;
	_ =	shalt  }
.Lfunc_end1:
_tile_overlayer_lowered:
.L_overlay_start_2:
0x46: {  	(tag) =	ssettag $0x2  }
0x47: {  	s0 =	rddreg [dreg:$0x0];
	s2 =	stileid.u32  }
0x48: {  	s1 =	rddreg [dreg:$0x1];
	p0 =	sne.s32 s2, $0x0  }
0x49: {  	s3 =	rddreg [dreg:$0x2];
	[bflag:$0x3] =	sbarrier.arrive $0xFFFF;
	s2 =	simm.s32 @!p0 $0x1C01  }
0x4a: {  	[timem:s3], [sflag:s2] =	dma.local @!p0 [hbm:s0], s1  }
0x4b: {  	s0 =	simm.s32 @!p0 $0x1  }
0x4c: {  	_ =	swait.ge @!p0 [sflag:s0], s1  }
0x4d: {  	s1 =	ssub.s32 @!p0 $0x0, s1;
	[sflag:s0] =	ssyncset.done @!p0 $0x0  }
0x4e: {  	[sflag:s0] =	ssyncadd.s32 @!p0 s1  }
0x4f: {  	[bflag:$0x3] =	sbarrier.arrive $0xFFFF  }
0x50: {  	_ =	shalt  }

// kernel: wrapper.3.cloned.1.call-start
scs
__scs_entry_jumppad:
0x0: {  	(pc) =	sbr.rel $0x88, $3  }
0x1: {  	(tag) =	ssettag $0x0;
	lr =	simm.s32 $0x1  }
0x2: {  	[smem:$0x3F9F] =	sst lr;
	_ =	strace $0xD0000000  }
0x3: {  	_ = 	snop  }
0x4: {  	_ = 	snop  }
0x5: {  	_ = 	snop  }
0x6: {  	_ = 	snop  }
0x7: {  	_ = 	snop  }
__scs_overlays_trampoline_lowered:
0x8: {  	[smem:$0x3FAE] =	sst s0  }
0x9: {  	[smem:$0x3FAF] =	sst s1  }
0xa: {  	[smem:$0x3FB0] =	sst s2  }
0xb: {  	[smem:$0x3FB1] =	sst s3  }
0xc: {  	[smem:$0x3FB2] =	sst s4  }
0xd: {  	[smem:$0x3FB3] =	sst s5  }
0xe: {  	[smem:$0x3FB4] =	sst s6  }
0xf: {  	[smem:$0x3FB5] =	sst s7  }
0x10: {  	[smem:$0x3FB6] =	sst s8  }
0x11: {  	[smem:$0x3FB7] =	sst s9;
	s0 =	simm.s32 @!p0 $0x0  }
0x12: {  	s1 =	sld [smem:$0x3F9D];
	s0 =	simm.s32 @p0 $0x1  }
0x13: {  	[smem:$0x3FB8] =	sst s0;
	s0 =	simm.s32 @!p1 $0x0  }
0x14: {  	s2 =	sld [smem:$0x3F9C];
	s0 =	simm.s32 @p1 $0x1  }
0x15: {  	[smem:$0x3FB9] =	sst s0;
	s0 =	simm.s32 @!p2 $0x0  }
0x16: {  	s3 =	sld [smem:$0x3FDB];
	s0 =	simm.s32 @p2 $0x1  }
0x17: {  	s4 =	simm.s32 $0x1BF5;
	[smem:$0x3FBB] =	sst s0  }
0x18: {  	s0 =	sld [smem:$0x3F9E];
	_ =	swait.ge [sflag:s4], $0x0  }
0x19: {  	s7 =	sld [smem:$0x3F9F]  }
0x1a: {  	s8 =	sadd.s32 $0xFFFFE003, lr  }
0x1b: {  	s9 =	sadd.s32 $0xFFFFFEF7, lr;
	s5 =	simm.s32 $0xFFFFFFFF;
	p2 =	slt.u32 s8, $0xFFFFF086  }
0x1c: {  	p1 =	slt.u32 s9, $0xF7A;
	s5 =	simm.s32 @!p2 $0x0  }
0x1d: {  	s5 =	simm.s32 @p1 $0x1;
	p0 =	seq.s32 s7, s2  }
0x1e: {  	s7 =	smul.u32 @!p0 $0xF7A, s2;
	p2 =	seq.s32 @!p0 s5, $0x0  }
0x1f: {  	s9 =	smul.u32 $0xF7A, s1;
	s8 =	simm.s32 @!p0 $0x1BF5;
	p2 =	por !p2, p0  }
0x20: {  	[sflag:s8] =	ssyncset.s32 @!p0 $0xFFFFF086;
	s6 =	sadd.s32 @!p0 s3, s7;
	s7 =	simm.s32 @!p0 $0x108  }
0x21: {  	s3 =	sadd.s32 s3, s9;
	s6 =	sadd.s32 @!p0 $0x88, s6;
	s7 =	simm.s32 @p2 $0x1082  }
0x22: {  	[simem:s7], [sflag:s8] =	dma.local @!p0 [hbm:s6], $0xF7A  }
0x23: {  	s9 =	sor.u32 $0xD0000000, s2;
	s6 =	simm.s32 $0x108;
	_ =	swait.ge @!p0 [sflag:s8], $0x0  }
0x24: {  	s3 =	sadd.s32 $0x88, s3;
	s6 =	simm.s32 @!p1 $0x1082;
	[sflag:s4] =	ssyncset.s32 $0xFFFFF086  }
0x25: {  	[simem:s6], [sflag:s4] =	dma.local [hbm:s3], $0xF7A  }
0x26: {  	[smem:$0x3F9F] =	sst s1;
	(tag) =	ssettag s2;
	_ =	strace s9  }
0x27: {  	s1 =	sld [smem:$0x3FAF]  }
0x28: {  	s2 =	sld [smem:$0x3FB0]  }
0x29: {  	s4 =	sld [smem:$0x3FB2]  }
0x2a: {  	p0 =	seq.s32 s5, $0x0;
	s5 =	sld [smem:$0x3FB3]  }
0x2b: {  	s6 =	sld [smem:$0x3FB4]  }
0x2c: {  	s7 =	sld [smem:$0x3FB5]  }
0x2d: {  	s3 =	simm.s32 $0x108;
	s8 =	sld [smem:$0x3FB6]  }
0x2e: {  	s3 =	simm.s32 @!p0 $0x1082;
	s9 =	sld [smem:$0x3FB7]  }
0x2f: {  	lr =	sadd.s32 s0, s3;
	s0 =	sld [smem:$0x3FAE]  }
0x30: {  	s3 =	sld [smem:$0x3FB1]  }
0x31: {  	[smem:$0x3FBA] =	sst s10  }
0x32: {  	s10 =	sld [smem:$0x3FB8];
	_ =	sdelay $0x3  }
0x33: {  	p0 =	seq.s32 s10, $0x1;
	s10 =	sld [smem:$0x3FBA];
	_ =	sdelay $0x3  }
0x34: {  	[smem:$0x3FBA] =	sst s10  }
0x35: {  	s10 =	sld [smem:$0x3FB9];
	_ =	sdelay $0x3  }
0x36: {  	p1 =	seq.s32 s10, $0x1;
	s10 =	sld [smem:$0x3FBA];
	_ =	sdelay $0x3  }
0x37: {  	[smem:$0x3FBA] =	sst s10  }
0x38: {  	s10 =	sld [smem:$0x3FBB]  }
0x39: {  	_ = 	snop;
	(pc) =	sbr.ind lr, $3  }
0x3a: {  	_ = 	snop  }
0x3b: {  	_ = 	snop  }
0x3c: {  	p2 =	seq.s32 s10, $0x1;
	s10 =	sld [smem:$0x3FBA]  }
0x3d: {  	_ =	shalt  }
0x3e: {  	_ =	shalt  }
0x3f: {  	_ =	shalt  }
0x40: {  	_ =	shalt  }
0x41: {  	_ =	shalt  }
0x42: {  	_ =	shalt  }
0x43: {  	_ =	shalt  }
0x44: {  	_ =	shalt  }
0x45: {  	_ =	shalt  }
0x46: {  	_ =	shalt  }
0x47: {  	_ =	shalt  }
0x48: {  	_ =	shalt  }
0x49: {  	_ =	shalt  }
0x4a: {  	_ =	shalt  }
0x4b: {  	_ =	shalt  }
0x4c: {  	_ =	shalt  }
0x4d: {  	_ =	shalt  }
0x4e: {  	_ =	shalt  }
0x4f: {  	_ =	shalt  }
0x50: {  	_ =	shalt  }
0x51: {  	_ =	shalt  }
0x52: {  	_ =	shalt  }
0x53: {  	_ =	shalt  }
0x54: {  	_ =	shalt  }
0x55: {  	_ =	shalt  }
0x56: {  	_ =	shalt  }
0x57: {  	_ =	shalt  }
0x58: {  	_ =	shalt  }
0x59: {  	_ =	shalt  }
0x5a: {  	_ =	shalt  }
0x5b: {  	_ =	shalt  }
0x5c: {  	_ =	shalt  }
0x5d: {  	_ =	shalt  }
0x5e: {  	_ =	shalt  }
0x5f: {  	_ =	shalt  }
0x60: {  	_ =	shalt  }
0x61: {  	_ =	shalt  }
0x62: {  	_ =	shalt  }
0x63: {  	_ =	shalt  }
0x64: {  	_ =	shalt  }
0x65: {  	_ =	shalt  }
0x66: {  	_ =	shalt  }
0x67: {  	_ =	shalt  }
0x68: {  	_ =	shalt  }
0x69: {  	_ =	shalt  }
0x6a: {  	_ =	shalt  }
0x6b: {  	_ =	shalt  }
0x6c: {  	_ =	shalt  }
0x6d: {  	_ =	shalt  }
0x6e: {  	_ =	shalt  }
0x6f: {  	_ =	shalt  }
0x70: {  	_ =	shalt  }
0x71: {  	_ =	shalt  }
0x72: {  	_ =	shalt  }
0x73: {  	_ =	shalt  }
0x74: {  	_ =	shalt  }
0x75: {  	_ =	shalt  }
0x76: {  	_ =	shalt  }
0x77: {  	_ =	shalt  }
0x78: {  	_ =	shalt  }
0x79: {  	_ =	shalt  }
0x7a: {  	_ =	shalt  }
0x7b: {  	_ =	shalt  }
0x7c: {  	_ =	shalt  }
0x7d: {  	_ =	shalt  }
0x7e: {  	_ =	shalt  }
0x7f: {  	_ =	shalt  }
0x80: {  	_ =	shalt  }
0x81: {  	_ =	shalt  }
0x82: {  	_ =	shalt  }
0x83: {  	_ =	shalt  }
0x84: {  	_ =	shalt  }
0x85: {  	_ =	shalt  }
0x86: {  	_ =	shalt  }
0x87: {  	_ =	shalt  }
.Lfunc_end0:
.L_simem_size_0:
called_computation.1_lowered:
.L_overlay_start_0:
0x88: {  	s2 =	sld [smem:$0x3FD9]  }
0x89: {  	s3 =	sld [smem:$0x3FFE];
	_ =	sdelay $0x1  }
0x8a: {  	s1 =	srdreg.scid  }
0x8b: {  	s0 =	sand.u32 $0x1, s1  }
0x8c: {  	s17 =	sshll.u32 s0, $0xA;
	s2 =	sadd.s32 s3, s2  }
0x8d: {  	s2 =	sadd.s32 s2, s17  }
0x8e: {  	[smem:$0x3FC6] =	sst s2  }
0x8f: {  	_ = 	snop  }
0x90: {  	s2 =	sld [smem:$0x3FD0];
	(tm) =	ssettm $0x1  }
0x91: {  	s18 =	sld [smem:$0x3FFB];
	_ =	sdelay $0x3  }
0x92: {  	_ =	strace s18  }
0x93: {  	s3 =	sld [smem:$0x3FFC];
	_ =	sdelay $0x3  }
0x94: {  	_ =	strace s3  }
0x95: {  	s3 =	sld [smem:$0x3FFD];
	_ =	sdelay $0x3  }
0x96: {  	_ =	strace s3  }
0x97: {  	_ =	strace $0x8FFFFFFF  }
0x98: {  	s19 =	sld [smem:$0x3FDB];
	_ =	sdelay $0x1  }
0x99: {  	s4 =	simm.s32 $_scs_section_size  }
0x9a: {  	s5 =	simm.s32 $_size__tile_overlayer_lowered;
	s6 =	simm.s32 $_tile_overlayer_lowered  }
0x9b: {  	s22 =	simm.s32 $0x1BFF;
	s21 =	sshll.u32 s6, $0x1;
	s3 =	sadd.s32 s4, s19  }
0x9c: {  	s7 =	simm.s32 $0x0;
	s20 =	sshll.u32 s5, $0x1;
	s5 =	sadd.s32 s21, s3  }
0x9d: {  	[timem:s7], [sflag:s22] =	dma.local [hbm:s5], s20  }
0x9e: {  	_ =	swait.ge [sflag:s22], s20  }
0x9f: {  	s4 =	ssub.s32 $0x0, s20;
	[sflag:s22] =	ssyncset.done $0x0  }
0xa0: {  	[sflag:s22] =	ssyncadd.s32 s4;
	_ =	sdelay $0x1  }
0xa1: {  	s23 =	simm.s32 $0x1B8B  }
0xa2: {  	_ =	swait.ge [sflag:s23], $0x1  }
0xa3: {  	[sflag:s23] =	ssyncset.done $0x0  }
0xa4: {  	s25 =	simm.s32 $0x1B8E;
	s24 =	sld [smem:$0x3FFE];
	[sflag:s23] =	ssyncadd.s32 $0xFFFFFFFF  }
0xa5: {  	s26 =	simm.s32 $execute0_lowered;
	[smem:$0x3FD2] =	sst s25  }
0xa6: {  	s5 =	sshll.u32 s26, $0x1;
	_ =	strace $0x80000046;
	[dreg:$0x1] =	wrdreg $0xFFFFFFFF  }
0xa7: {  	s28 =	simm.s32 $_size_execute0_lowered;
	s3 =	sadd.s32 s3, s5;
	[dreg:$0x0] =	wrdreg $0x0  }
0xa8: {  	s5 =	sshll.u32 s28, $0x1;
	[dreg:$0x2] =	wrdreg s3  }
0xa9: {  	[dreg:$0x3] =	wrdreg s5  }
0xaa: {  	[dreg:$0x4] =	wrdreg $0xC0  }
0xab: {  	_ =	task [dreg:s7], $0x5FFFF  }
0xac: {  	[dreg:$0x1] =	wrdreg $0xFFFFFFFF  }
0xad: {  	[dreg:$0x0] =	wrdreg $0x60  }
0xae: {  	[dreg:$0x2] =	wrdreg s24  }
0xaf: {  	[dreg:$0x3] =	wrdreg s2  }
0xb0: {  	[dreg:$0x4] =	wrdreg $0x9  }
0xb1: {  	_ =	task.clear_ibuf [dreg:s7], $0x5FFFF;
	_ =	strace $0x90000046  }
0xb2: {  	s29 =	simm.s32 $0x9;
	_ =	strace $0x80000051  }
0xb3: {  	_ =	swait.ge [sflag:s29], $0x1  }
0xb4: {  	[sflag:s29] =	ssyncadd.s32 $0xFFFFFFFF  }
0xb5: {  	_ =	strace $0x90000051  }
0xb6: {  	_ =	sfence  }
0xb7: {  	s30 =	sld [smem:$0x0];
	_ =	sdelay $0x2  }
0xb8: {  	s31 =	sshll.u32 s1, $0xD;
	s1 =	sshrl.u32 s1, $0x2  }
0xb9: {  	s3 =	sand.u32 $0x4000, s31;
	s1 =	sadd.s32 s1, s30  }
0xba: {  	s0 =	sor.u32 s3, s0;
	s1 =	sshll.u32 s1, $0x11  }
0xbb: {  	s0 =	sor.u32 s1, s0  }
0xbc: {  	s0 =	sadd.s32 $0x8F2B, s0  }
0xbd: {  	[sflag:s0] =	ssyncadd.remote.s32 $0x1  }
0xbe: {  	_ =	sfence.sel $0xFFFF  }
0xbf: {  	[dreg:$0x0] =	wrdreg $0xFFFFFFFF;
	(pc) =	sbr.abs _section_cstart, $3  }
0xc0: {  	[dreg:$0x1] =	wrdreg $0xFFFFFFFF  }
0xc1: {  	_ =	task.clear_ibuf [dreg:s7], $0x2FFFF;
	_ =	strace $0x9FFFFFFF  }
0xc2: {  	(tm) =	ssettm $0x7FFFFFFF  }
0xc3: {  	_ =	shalt  }
tec
execute0_lowered:
.L_overlay_start_1:
0x0: {  	(tag) =	ssettag $0x1  }
0x1: {  	v0 =	vlaneseq.u32  }
0x2: {  	v0 =	vmul.u32 $0x2, v0;
	_ =	sdelay $0x1  }
0x3: {  	s0 =	srdreg.scid;
	v1 =	vor.u32 $0x1, v0  }
0x4: {  	s6 =	rddreg [dreg:$0x0];
	s5 =	sand.u32 $0x1, s0;
	v2 =	vor.u32 $0x20, v0;
	v3 =	vor.u32 $0x21, v0;
	v4 =	vor.u32 $0x40, v0  }
0x5: {  	s2 =	rddreg [dreg:$0x1];
	s31 =	stileid.u32;
	s4 =	sshll.u32 s5, $0x4;
	v5 =	vor.u32 $0x41, v0;
	v6 =	vor.u32 $0x60, v0;
	v7 =	vor.u32 $0x61, v0  }
0x6: {  	s3 =	simm.s32 $0x0;
	s13 =	simm.s32 $0x7;
	s7 =	sor.u32 s31, s4;
	v8 =	vor.u32 $0x80, v0;
	v9 =	vor.u32 $0x81, v0;
	v10 =	vor.u32 $0xA0, v0  }
0x7: {  	s14 =	simm.s32 $0x6;
	[smem:$0x7FF] =	sst s3;
	v11 =	vor.u32 $0xA1, v0;
	v12 =	vor.u32 $0xC0, v0;
	v13 =	vor.u32 $0xC1, v0;
	s8 =	smul.u32 $0x6400, s7  }
0x8: {  	s15 =	simm.s32 $0x0;
	_ =	strace $0x80000047;
	v14 =	vor.u32 $0xE0, v0;
	v15 =	vor.u32 $0xE1, v0;
	v16 =	vor.u32 $0x100, v0;
	s9 =	smul.u32 $0x3200, s7  }
0x9: {  	s10 =	ssub.s32 $0x2, s5;
	s5 =	sadd.s32 $0xA00, s6;
	s4 =	sadd.s32 $0xF80A00, s6;
	v17 =	vor.u32 $0x101, v0;
	v18 =	vor.u32 $0x120, v0;
	v19 =	vor.u32 $0x121, v0  }
0xa: {  	s11 =	sshrl.u32 s10, $0x1;
	v20 =	vor.u32 $0x140, v0;
	v21 =	vor.u32 $0x141, v0;
	v22 =	vor.u32 $0x160, v0;
	s8 =	sand.u32 $0xF8000, s8;
	s9 =	sand.u32 $0x3E00, s9  }
0xb: {  	s6 =	sadd.s32 $0x1200, s6;
	v23 =	vor.u32 $0x161, v0;
	v24 =	vor.u32 $0x180, v0;
	v25 =	vor.u32 $0x181, v0;
	s10 =	ssub.s32 s10, s11;
	s8 =	sor.u32 s9, s8  }
0xc: {  	v26 =	vor.u32 $0x1A0, v0;
	v27 =	vor.u32 $0x1A1, v0;
	v28 =	vor.u32 $0x1C0, v0;
	s7 =	smul.u32 $0x32, s7;
	s11 =	simm.s32 $0x200;
	s9 =	sshrl.u32 s8, $0x3  }
0xd: {  	v29 =	vor.u32 $0x1C1, v0;
	v30 =	vor.u32 $0x1E0, v0;
	v31 =	vor.u32 $0x1E1, v0;
	s10 =	smax.u32 s10, $0x1;
	s8 =	sadd.s32 s5, s9;
	s9 =	sadd.s32 s9, s6  }
.LBB2_1:
0xe: {  	_ =	strace $0x80000048;
	s0 =	simm.s32 $0x400  }
0xf: {  	s16 =	simm.s32 $0x32;
	s24 =	simm.s32 $0x0;
	s17 =	simm.s32 $0x0  }
0x10: {  	[tilespmem:s11], [sflag:$0x1] =	stream.linear.gather [hbm4b:s8+s3], $0x100, $0x200038;
	[tilespmem:$0x10600] =	vst v63  }
0x11: {  	s18 =	simm.s32 $0x0;
	s19 =	simm.s32 $0x0;
	s20 =	simm.s32 $0x1  }
0x12: {  	[tilespmem:s0], [sflag:$0x3] =	stream.linear.gather [hbm4b:s9+s3], $0x100, $0x200038;
	[tilespmem:$0x10600] =	vst v63  }
0x13: {  	s21 =	simm.s32 $0x0;
	s23 =	simm.s32 $0x1;
	_ =	strace $0x90000048  }
.LBB2_2:
0x14: {  	s22 =	sadd.s32 $0x1, s24  }
0x15: {  	p0 =	seq.s32 s22, $0x32  }
0x16: {  	s25 =	sadd.s32 s7, s24;
	s22 =	simm.s32 @p0 $0x0  }
0x17: {  	s28 =	sshra.s32 s25, $0x1F;
	s26 =	sadd.s32 s7, s22  }
0x18: {  	s28 =	sshrl.u32 s28, $0x1A;
	s29 =	sshra.s32 s26, $0x1F  }
0x19: {  	s28 =	sadd.s32 s28, s25;
	s29 =	sshrl.u32 s29, $0x1A  }
0x1a: {  	s30 =	sshra.s32 s28, $0x6;
	s28 =	sand.u32 $0xFFFFFFC0, s28;
	s29 =	sadd.s32 s29, s26  }
0x1b: {  	p2 =	slt.s32 s25, $0x1;
	p1 =	sne.s32 s25, s28;
	s12 =	sand.u32 $0xFFFFFFC0, s29  }
0x1c: {  	p3 =	slt.s32 s26, $0x1;
	p0 =	por !p2, !p1;
	p2 =	sne.s32 s26, s12  }
0x1d: {  	s28 =	simm.s32 $0x1;
	p0 =	por !p0, !p0;
	p1 =	por !p3, !p2  }
0x1e: {  	s31 =	simm.s32 $0x1;
	s28 =	simm.s32 @!p0 $0x0;
	p0 =	por !p1, !p1  }
0x1f: {  	s29 =	sshra.s32 s29, $0x6;
	s26 =	sand.u32 $0x3F, s26;
	s31 =	simm.s32 @!p0 $0x0  }
0x20: {  	s28 =	ssub.s32 s30, s28;
	s30 =	sand.u32 $0x3F, s25;
	s29 =	ssub.s32 s29, s31  }
0x21: {  	p5 =	sne.s32 s30, s26;
	p4 =	sne.s32 s28, s29  }
0x22: {  	p1 =	seq.s32 s16, $0x1;
	p0 =	por p5, p4  }
0x23: {  	p3 =	seq.s32 s24, $0x0;
	s31 =	sadd.s32 $0xFFFFFFFF, s24;
	p2 =	por !p0, p1  }
0x24: {  	s31 =	simm.s32 @p3 $0x31;
	s29 =	sshll.u32 @!p2 s29, $0xF;
	s26 =	sshll.u32 @!p2 s26, $0x8  }
0x25: {  	s1 =	sand.u32 @!p2 $0x1, s23;
	_ =	strace @!p2 $0x80000049;
	s26 =	sor.u32 @!p2 s26, s29  }
0x26: {  	s12 =	simm.s32 @!p2 $0x0;
	s29 =	sshll.u32 @!p2 s1, $0x8;
	s26 =	sshrl.u32 @!p2 s26, $0x3  }
0x27: {  	s1 =	sadd.s32 @!p2 $0x1, s1;
	s29 =	sor.u32 @!p2 $0x200, s29;
	s0 =	sadd.s32 @!p2 s5, s26  }
0x28: {  	[tilespmem:s29], [sflag:s1] =	stream.linear.gather @!p2 [hbm4b:s0+s12], $0x100, $0x200038;
	[tilespmem:$0x10600] =	vst v63  }
0x29: {  	s31 =	sadd.s32 s7, s31;
	s0 =	sand.u32 @!p2 $0x1, s20  }
0x2a: {  	s26 =	sadd.s32 @!p2 s26, s6;
	_ =	strace @!p2 $0x90000049;
	s29 =	sshll.u32 @!p2 s0, $0x8  }
0x2b: {  	s0 =	sadd.s32 @!p2 $0x3, s0;
	_ =	strace @!p2 $0x8000004A;
	s29 =	sor.u32 @!p2 $0x400, s29  }
0x2c: {  	[tilespmem:s29], [sflag:s0] =	stream.linear.gather @!p2 [hbm4b:s26+s12], $0x100, $0x200038;
	[tilespmem:$0x10600] =	vst v63  }
0x2d: {  	s12 =	sshra.s32 s31, $0x1F  }
0x2e: {  	s0 =	sshrl.u32 s12, $0x1A  }
0x2f: {  	s0 =	sadd.s32 s0, s31  }
0x30: {  	s26 =	sand.u32 $0xFFFFFFC0, s0  }
0x31: {  	p4 =	slt.s32 s31, $0x1;
	p5 =	sne.s32 s31, s26  }
0x32: {  	p3 =	seq.s32 s16, $0x32;
	p4 =	por !p4, !p5  }
0x33: {  	s1 =	sand.u32 $0x3F, s31;
	s12 =	simm.s32 $0x1;
	p4 =	por !p4, !p4  }
0x34: {  	s0 =	sshra.s32 s0, $0x6;
	s12 =	simm.s32 @!p4 $0x0;
	p4 =	sne.s32 @!p3 s30, s1  }
0x35: {  	s0 =	ssub.s32 s0, s12;
	p4 =	por p3, p4  }
0x36: {  	p5 =	seq.s32 @!p4 s28, s0  }
0x37: {  	p4 =	por p4, !p5  }
0x38: {  	_ =	strace @!p2 $0x9000004A;
	s0 =	sand.u32 @p4 $0x1, s21  }
0x39: {  	_ =	strace @p4 $0x8000004B;
	s0 =	sadd.s32 @p4 $0x1, s0  }
0x3a: {  	_ =	swait.ge @p4 [sflag:s0], $0x100  }
0x3b: {  	[sflag:s0] =	ssyncset.done @p4 $0x0  }
0x3c: {  	[sflag:s0] =	ssyncadd.s32 @p4 $0xFFFFFF00  }
0x3d: {  	s0 =	sand.u32 @p4 $0x1, s19;
	_ =	strace @p4 $0x9000004B  }
0x3e: {  	s0 =	sadd.s32 @p4 $0x3, s0;
	_ =	strace @p4 $0x8000004C  }
0x3f: {  	_ =	swait.ge @p4 [sflag:s0], $0x100  }
0x40: {  	[sflag:s0] =	ssyncset.done @p4 $0x0  }
0x41: {  	[sflag:s0] =	ssyncadd.s32 @p4 $0xFFFFFF00  }
0x42: {  	s28 =	sshll.u32 s21, $0x8;
	_ =	strace @p4 $0x9000004C  }
0x43: {  	s29 =	sand.u32 $0x100, s28;
	_ =	strace $0x8000004D  }
0x44: {  	v32 =	vld [tilespmem:s29+$0x200];
	_ =	sdelay $0x3  }
0x45: {  	s30 =	sshll.u32 s19, $0x8  }
0x46: {  	s0 =	sand.u32 $0x100, s30;
	[tilespmem:v0+s3+$0x0] =	vst.idx.msk $0xffff, v32  }
0x47: {  	v32 =	vld [tilespmem:s0+$0x400];
	_ =	sdelay $0x4  }
0x48: {  	[tilespmem:v1+s3+$0x0] =	vst.idx.msk $0xffff, v32  }
0x49: {  	v32 =	vld [tilespmem:s29+$0x210];
	_ =	sdelay $0x4  }
0x4a: {  	[tilespmem:v2+s3+$0x0] =	vst.idx.msk $0xffff, v32  }
0x4b: {  	v32 =	vld [tilespmem:s0+$0x410];
	_ =	sdelay $0x4  }
0x4c: {  	[tilespmem:v3+s3+$0x0] =	vst.idx.msk $0xffff, v32  }
0x4d: {  	v32 =	vld [tilespmem:s29+$0x220];
	_ =	sdelay $0x4  }
0x4e: {  	[tilespmem:v4+s3+$0x0] =	vst.idx.msk $0xffff, v32  }
0x4f: {  	v32 =	vld [tilespmem:s0+$0x420];
	_ =	sdelay $0x4  }
0x50: {  	[tilespmem:v5+s3+$0x0] =	vst.idx.msk $0xffff, v32  }
0x51: {  	v32 =	vld [tilespmem:s29+$0x230];
	_ =	sdelay $0x4  }
0x52: {  	[tilespmem:v6+s3+$0x0] =	vst.idx.msk $0xffff, v32  }
0x53: {  	v32 =	vld [tilespmem:s0+$0x430];
	_ =	sdelay $0x4  }
0x54: {  	[tilespmem:v7+s3+$0x0] =	vst.idx.msk $0xffff, v32  }
0x55: {  	v32 =	vld [tilespmem:s29+$0x240];
	_ =	sdelay $0x4  }
0x56: {  	[tilespmem:v8+s3+$0x0] =	vst.idx.msk $0xffff, v32  }
0x57: {  	v32 =	vld [tilespmem:s0+$0x440];
	_ =	sdelay $0x4  }
0x58: {  	[tilespmem:v9+s3+$0x0] =	vst.idx.msk $0xffff, v32  }
0x59: {  	v32 =	vld [tilespmem:s29+$0x250];
	_ =	sdelay $0x4  }
0x5a: {  	[tilespmem:v10+s3+$0x0] =	vst.idx.msk $0xffff, v32  }
0x5b: {  	v32 =	vld [tilespmem:s0+$0x450];
	_ =	sdelay $0x4  }
0x5c: {  	[tilespmem:v11+s3+$0x0] =	vst.idx.msk $0xffff, v32  }
0x5d: {  	v32 =	vld [tilespmem:s29+$0x260];
	_ =	sdelay $0x4  }
0x5e: {  	[tilespmem:v12+s3+$0x0] =	vst.idx.msk $0xffff, v32  }
0x5f: {  	v32 =	vld [tilespmem:s0+$0x460];
	_ =	sdelay $0x4  }
0x60: {  	[tilespmem:v13+s3+$0x0] =	vst.idx.msk $0xffff, v32  }
0x61: {  	v32 =	vld [tilespmem:s29+$0x270];
	_ =	sdelay $0x4  }
0x62: {  	[tilespmem:v14+s3+$0x0] =	vst.idx.msk $0xffff, v32  }
0x63: {  	v32 =	vld [tilespmem:s0+$0x470];
	_ =	sdelay $0x4  }
0x64: {  	[tilespmem:v15+s3+$0x0] =	vst.idx.msk $0xffff, v32  }
0x65: {  	v32 =	vld [tilespmem:s29+$0x280];
	_ =	sdelay $0x4  }
0x66: {  	[tilespmem:v16+s3+$0x0] =	vst.idx.msk $0xffff, v32  }
0x67: {  	v32 =	vld [tilespmem:s0+$0x480];
	_ =	sdelay $0x4  }
0x68: {  	[tilespmem:v17+s3+$0x0] =	vst.idx.msk $0xffff, v32  }
0x69: {  	v32 =	vld [tilespmem:s29+$0x290];
	_ =	sdelay $0x4  }
0x6a: {  	[tilespmem:v18+s3+$0x0] =	vst.idx.msk $0xffff, v32  }
0x6b: {  	v32 =	vld [tilespmem:s0+$0x490];
	_ =	sdelay $0x4  }
0x6c: {  	[tilespmem:v19+s3+$0x0] =	vst.idx.msk $0xffff, v32  }
0x6d: {  	v32 =	vld [tilespmem:s29+$0x2A0];
	_ =	sdelay $0x4  }
0x6e: {  	[tilespmem:v20+s3+$0x0] =	vst.idx.msk $0xffff, v32  }
0x6f: {  	v32 =	vld [tilespmem:s0+$0x4A0];
	_ =	sdelay $0x4  }
0x70: {  	[tilespmem:v21+s3+$0x0] =	vst.idx.msk $0xffff, v32  }
0x71: {  	v32 =	vld [tilespmem:s29+$0x2B0];
	_ =	sdelay $0x4  }
0x72: {  	[tilespmem:v22+s3+$0x0] =	vst.idx.msk $0xffff, v32  }
0x73: {  	v32 =	vld [tilespmem:s0+$0x4B0];
	_ =	sdelay $0x4  }
0x74: {  	[tilespmem:v23+s3+$0x0] =	vst.idx.msk $0xffff, v32  }
0x75: {  	v32 =	vld [tilespmem:s29+$0x2C0];
	_ =	sdelay $0x4  }
0x76: {  	[tilespmem:v24+s3+$0x0] =	vst.idx.msk $0xffff, v32  }
0x77: {  	v32 =	vld [tilespmem:s0+$0x4C0];
	_ =	sdelay $0x4  }
0x78: {  	[tilespmem:v25+s3+$0x0] =	vst.idx.msk $0xffff, v32  }
0x79: {  	v32 =	vld [tilespmem:s29+$0x2D0];
	_ =	sdelay $0x4  }
0x7a: {  	[tilespmem:v26+s3+$0x0] =	vst.idx.msk $0xffff, v32  }
0x7b: {  	v32 =	vld [tilespmem:s0+$0x4D0];
	_ =	sdelay $0x4  }
0x7c: {  	[tilespmem:v27+s3+$0x0] =	vst.idx.msk $0xffff, v32  }
0x7d: {  	v32 =	vld [tilespmem:s29+$0x2E0];
	_ =	sdelay $0x4  }
0x7e: {  	[tilespmem:v28+s3+$0x0] =	vst.idx.msk $0xffff, v32  }
0x7f: {  	v32 =	vld [tilespmem:s0+$0x4E0];
	_ =	sdelay $0x4  }
0x80: {  	[tilespmem:v29+s3+$0x0] =	vst.idx.msk $0xffff, v32  }
0x81: {  	v32 =	vld [tilespmem:s29+$0x2F0];
	_ =	sdelay $0x4  }
0x82: {  	[tilespmem:v30+s3+$0x0] =	vst.idx.msk $0xffff, v32  }
0x83: {  	v32 =	vld [tilespmem:s0+$0x4F0];
	_ =	sdelay $0x2  }
0x84: {  	s0 =	sand.u32 $0x1, s18  }
0x85: {  	s31 =	sshll.u32 s0, $0xF  }
0x86: {  	s1 =	sor.u32 $0x600, s31;
	[tilespmem:v31+s3+$0x0] =	vst.idx.msk $0xffff, v32  }
0x87: {  	[tilespmem:s1], [sflag:$0x7] =	stream.indirect.gather [hbm4b:s4+s11], $0x40, s3, s11, $0x2000b8;
	[tilespmem:$0x10600] =	vst v63  }
0x88: {  	p6 =	sne.s32 s24, s22;
	_ =	swait.ge [sflag:s13], $0x8000  }
0x89: {  	p4 =	por p1, p6;
	[sflag:s13] =	ssyncset.done $0x0  }
0x8a: {  	s12 =	sshll.u32 @p4 s25, $0xC;
	[sflag:s13] =	ssyncadd.s32 $0xFFFF8000  }
0x8b: {  	s24 =	simm.s32 @p4 $0x0;
	s12 =	sand.u32 @p4 $0x1FFFF000, s12;
	_ =	strace $0x9000004D  }
0x8c: {  	s12 =	sadd.s32 @p4 s2, s12;
	s0 =	sadd.s32 @p4 $0x5, s0;
	_ =	strace @p4 $0x8000004E  }
0x8d: {  	[hbm4b:s12+s24] =	stream.linear.scatter @p4 [tilespmem:s1], [sflag:s0], $0x8000, $0x200038;
	[tilespmem:$0x10600] =	vst v63  }
0x8e: {  	p0 =	por p1, p0;
	s12 =	sand.u32 @!p3 $0x1, s17;
	_ =	strace @p4 $0x9000004E  }
0x8f: {  	s0 =	sadd.s32 @!p2 $0x1, s23;
	s12 =	sadd.s32 @!p3 $0x5, s12;
	_ =	strace @!p3 $0x8000004F  }
0x90: {  	s1 =	simm.s32 @!p2 $0x1;
	s0 =	smov.u32 @p2 s23;
	_ =	swait.ge @!p3 [sflag:s12], $0x8000  }
0x91: {  	s1 =	simm.s32 @p2 $0x0;
	p2 =	sne.s32 s16, $0x32;
	[sflag:s12] =	ssyncset.done @!p3 $0x0  }
0x92: {  	s16 =	sadd.s32 $0xFFFFFFFF, s16;
	[sflag:s12] =	ssyncadd.s32 @!p3 $0xFFFF8000;
	s12 =	simm.s32 $0x1  }
0x93: {  	s12 =	simm.s32 @!p0 $0x0;
	p0 =	sne.s32 s16, $0x0  }
.Ltmp0:
0x94: {  	s0 =	smov.u32 @p1 s23;
	s1 =	simm.s32 @p1 $0x0;
	(pc) =	sbr.rel @p0 .LBB2_2-.Ltmp0, $4  }
0x95: {  	s23 =	simm.s32 $0x1;
	s20 =	sadd.s32 s20, s1;
	s1 =	simm.s32 $0x1  }
0x96: {  	s24 =	smov.u32 s22;
	s23 =	simm.s32 @!p4 $0x0;
	s1 =	simm.s32 @!p2 $0x0  }
0x97: {  	s18 =	sadd.s32 s23, s18;
	s23 =	smov.u32 s0;
	s17 =	sadd.s32 s1, s17  }
0x98: {  	_ =	strace @!p3 $0x9000004F;
	s21 =	sadd.s32 s12, s21;
	s19 =	sadd.s32 s12, s19  }
0x99: {  	s15 =	sadd.s32 $0x1, s15  }
0x9a: {  	p0 =	sne.s32 s15, s10  }
.Ltmp1:
0x9b: {  	_ =	strace $0x80000050;
	(pc) =	sbr.rel @p0 .LBB2_1-.Ltmp1, $4  }
0x9c: {  	_ =	swait.ge [sflag:s14], $0x8000  }
0x9d: {  	[sflag:s14] =	ssyncset.done $0x0  }
0x9e: {  	[sflag:s14] =	ssyncadd.s32 $0xFFFF8000  }
0x9f: {  	_ =	strace $0x90000050  }
0xa0: {  	_ =	sfence.sel $0x180000  }
0xa1: {  	[bflag:$0x0] =	sbarrier.arrive $0xFFFF  }
0xa2: {  	_ =	strace $0x90000047  }
0xa3: {  	s0 =	stileid.u32;
	[bflag:$0x2] =	sbarrier.arrive $0xFFFF  }
0xa4: {  	p0 =	sne.s32 s0, $0x0;
	s0 =	rddreg [dreg:$0x2]  }
0xa5: {  	s0 =	sadd.s32 @!p0 $0x100000, s0  }
0xa6: {  	[sflag:s0] =	ssyncadd.tile.s32 @!p0 $0x1;
	_ =	shalt  }
.Lfunc_end2:
_tile_overlayer_lowered:
.L_overlay_start_2:
0xa7: {  	(tag) =	ssettag $0x2  }
0xa8: {  	s0 =	rddreg [dreg:$0x0];
	s2 =	stileid.u32  }
0xa9: {  	s1 =	rddreg [dreg:$0x1];
	p0 =	sne.s32 s2, $0x0  }
0xaa: {  	s3 =	rddreg [dreg:$0x2];
	[bflag:$0x3] =	sbarrier.arrive $0xFFFF;
	s2 =	simm.s32 @!p0 $0x1C01  }
0xab: {  	[timem:s3], [sflag:s2] =	dma.local @!p0 [hbm:s0], s1  }
0xac: {  	s0 =	simm.s32 @!p0 $0x1  }
0xad: {  	_ =	swait.ge @!p0 [sflag:s0], s1  }
0xae: {  	s1 =	ssub.s32 @!p0 $0x0, s1;
	[sflag:s0] =	ssyncset.done @!p0 $0x0  }
0xaf: {  	[sflag:s0] =	ssyncadd.s32 @!p0 s1  }
0xb0: {  	[bflag:$0x3] =	sbarrier.arrive $0xFFFF  }
0xb1: {  	_ =	shalt  }

</sc_bundles>
